<compile_context>
chip_gen: v7x
topology: tpu7x:2x2x1
jax: 0.10.2.dev20260603
libtpu: 0.0.44.dev20260713+nightly
codegen_flags: <defaults>
</compile_context>

<pallas_src>
import functools

import jax
import jax.numpy as jnp
from jax import lax
from jax.experimental import pallas as pl
from jax.experimental.pallas import tpu as pltpu
from jax.experimental.pallas import tpu_sc as plsc

B, F, L, E = 4096, 26, 50, 32
S = B * F
NC, NS = 2, 16
NW = NC * NS
SEG_PER_W = S // NW
CHUNK_SEGS = 2
CHUNK_IDX = CHUNK_SEGS * L
CHUNKS_PER_W = SEG_PER_W // CHUNK_SEGS

_GATHER_DNUMS = lax.GatherDimensionNumbers(
    offset_dims=(), collapsed_slice_dims=(0,), start_index_map=(0,))


def _bcast_lane(v, lane):
    idx = jnp.full((16, 1), lane, dtype=jnp.int32)
    return lax.gather(v, idx, _GATHER_DNUMS, (1,),
                      mode=lax.GatherScatterMode.PROMISE_IN_BOUNDS)


def _seg_accumulate(idx_v, rows_v, out_v, s):
    base = s * L
    offs = (base, base + 16, base + 32, base + 34)
    masks = []
    for o in offs:
        iv = idx_v[pl.ds(o, 16)]
        masks.append(jnp.where(iv != 0, 1.0, 0.0).astype(jnp.float32))
    acc0 = jnp.zeros((16,), jnp.float32)
    acc1 = jnp.zeros((16,), jnp.float32)
    for j in range(L):
        if j < 48:
            c, lane = j // 16, j % 16
        else:
            c, lane = 3, j - 34
        mj = _bcast_lane(masks[c], lane)
        r0 = rows_v[base + j, pl.ds(0, 16)]
        r1 = rows_v[base + j, pl.ds(16, 16)]
        acc0 = acc0 + r0 * mj
        acc1 = acc1 + r1 * mj
    out_v[s, pl.ds(0, 16)] = acc0
    out_v[s, pl.ds(16, 16)] = acc1


@functools.partial(
    pl.kernel,
    out_type=jax.ShapeDtypeStruct((NW, CHUNKS_PER_W, CHUNK_SEGS, E),
                                  jnp.float32),
    mesh=plsc.VectorSubcoreMesh(core_axis_name="c", subcore_axis_name="s"),
    scratch_types=[
        pltpu.VMEM((CHUNK_IDX,), jnp.int32),
        pltpu.VMEM((CHUNK_IDX, E), jnp.float32),
        pltpu.VMEM((CHUNK_SEGS, E), jnp.float32),
        pltpu.SemaphoreType.DMA,
    ],
    compiler_params=pltpu.CompilerParams(use_tc_tiling_on_sc=False),
)
def _flsum_kernel(idx_hbm, table_hbm, out_hbm, idx_v, rows_v, out_v, sem):
    wid = lax.axis_index("s") * NC + lax.axis_index("c")

    @pl.loop(0, CHUNKS_PER_W)
    def _chunk(c):
        pltpu.sync_copy(idx_hbm.at[wid, c], idx_v)
        pltpu.async_copy(table_hbm.at[idx_v], rows_v, sem).wait()
        for s in range(CHUNK_SEGS):
            _seg_accumulate(idx_v, rows_v, out_v, s)
        pltpu.sync_copy(out_v, out_hbm.at[wid, c])


def kernel(inputs, table):
    idx = inputs.reshape(NW, CHUNKS_PER_W, CHUNK_IDX)
    out = _flsum_kernel(idx, table)
    return out.reshape(B, F, E)

# --- scband reference (transcript-rebuilt; emitter-appended) ---
"""Pipeline reference for scband-first-level-sum-61117384622899 (READ-ONLY COPY).

The authoritative reference and input builder live on the scoring server;
editing this copy changes nothing except your own understanding.
"""

import jax, jax.numpy as jnp
import numpy as np

VOCAB = 1000000
EMBED = 32

def setup_inputs(seed: int = 0) -> dict:
    key = jax.random.key(seed)
    k1, k2 = jax.random.split(key)
    inputs = jax.random.randint(k1, (4096, 26, 50), 0, VOCAB, dtype=jnp.int32)
    table = jax.random.normal(k2, (VOCAB, EMBED), dtype=jnp.float32) * 0.05
    return {"inputs": inputs, "table": table}

def reference(inputs, table):
    # Embedding lookup (gather)
    inputs_embed = jnp.take(table, inputs, axis=0)  # [B, F, L, E]
    # mask_zero semantics: positions where index == 0 are masked out
    inputs_mask = (inputs != 0)
    val_mask = jnp.expand_dims(inputs_mask, -1).astype(jnp.float32)
    valid_inputs_embed = inputs_embed * val_mask
    # Sum over the history-length axis (axis=2)
    inputs_merged = jnp.sum(valid_inputs_embed, axis=2)  # [B, F, E]
    return inputs_merged

if __name__ == "__main__":
    import jax
    _d = setup_inputs()
    print(jax.jit(kernel)(*tuple(_d.values())))

</pallas_src>

<mosaic_0001>
#map = affine_map<(d0, d1) -> (0, 0, 0)>
#map1 = affine_map<(d0, d1) -> (0, 0)>
#map2 = affine_map<(d0, d1) -> (0, 0, 0, 0)>
module attributes {stable_mosaic.version = 14 : i64} {
  func.func @_flsum_kernel(%arg0: i32, %arg1: i32, %arg2: memref<32x1664x100xi32, #tpu.memory_space<hbm>>, %arg3: memref<1000000x32xf32, #tpu.memory_space<hbm>>, %arg4: memref<32x1664x2x32xf32, #tpu.memory_space<hbm>>, %arg5: memref<100xi32, #tpu.memory_space<vmem>>, %arg6: memref<100x32xf32, #tpu.memory_space<vmem>>, %arg7: memref<2x32xf32, #tpu.memory_space<vmem>>, %arg8: memref<!tpu.dma_semaphore, #tpu.memory_space<semaphore_mem>>) attributes {dimension_semantics = [#tpu.dimension_semantics<core_parallel>, #tpu.dimension_semantics<subcore_parallel>], iteration_bounds = array<i64: 2, 16>, scalar_prefetch = 0 : i64, scratch_operands = 4 : i64, tpu.core_type = #tpu.core_type<sc_vector_subcore>, window_params = [{transform_indices = #map}, {transform_indices = #map1}, {transform_indices = #map2}]} {
    %mul3A = arith.constant 2 : i32
    %mul3A_0 = arith.muli %arg1, %mul3A : i32
    %add3A = arith.addi %mul3A_0, %arg0 : i32
    %scan3A = arith.constant 0 : i32
    %scan3A_1 = arith.constant 1664 : i32
    %scan3A_2 = arith.addi %scan3A, %scan3A_1 : i32
    %scan3A_3 = arith.constant 1 : i32
    scf.for %scan3A_5 = %scan3A to %scan3A_2 step %scan3A_3  : i32 {
      %mul3A_6 = arith.constant 1 : i32
      %mul3A_7 = arith.muli %scan3A_5, %mul3A_6 : i32
      %add3A_8 = arith.constant 0 : i32
      %add3A_9 = arith.addi %add3A_8, %mul3A_7 : i32
      "tpu.region"() ({
        %run_scoped3A = tpu.sem_alloc : memref<!tpu.dma_semaphore, #tpu.memory_space<semaphore_mem>>
        %dma_start3A_1927 = arith.constant 0 : i32
        %dma_start3A_1928 = tpu.memref_slice %arg2[%add3A, %add3A_9, %dma_start3A_1927] : memref<32x1664x100xi32, #tpu.memory_space<hbm>> -> memref<1x1x100xi32, #tpu.memory_space<hbm>>
        %dma_start3A_1929 = tpu.memref_squeeze %dma_start3A_1928 : memref<1x1x100xi32, #tpu.memory_space<hbm>> -> memref<100xi32, #tpu.memory_space<hbm>>
        %dma_start3A_1930 = arith.constant 0 : i32
        %dma_start3A_1931 = tpu.memref_slice %arg2[%add3A, %add3A_9, %dma_start3A_1930] : memref<32x1664x100xi32, #tpu.memory_space<hbm>> -> memref<1x1x100xi32, #tpu.memory_space<hbm>>
        %dma_start3A_1932 = tpu.memref_squeeze %dma_start3A_1931 : memref<1x1x100xi32, #tpu.memory_space<hbm>> -> memref<100xi32, #tpu.memory_space<hbm>>
        tpu.enqueue_dma source(%dma_start3A_1932 : memref<100xi32, #tpu.memory_space<hbm>>) target(%arg5 : memref<100xi32, #tpu.memory_space<vmem>>) target_semaphore(%run_scoped3A : memref<!tpu.dma_semaphore, #tpu.memory_space<semaphore_mem>>)
        %dma_wait3A_1933 = arith.constant 0 : i32
        %dma_wait3A_1934 = tpu.memref_slice %arg2[%add3A, %add3A_9, %dma_wait3A_1933] : memref<32x1664x100xi32, #tpu.memory_space<hbm>> -> memref<1x1x100xi32, #tpu.memory_space<hbm>>
        %dma_wait3A_1935 = tpu.memref_squeeze %dma_wait3A_1934 : memref<1x1x100xi32, #tpu.memory_space<hbm>> -> memref<100xi32, #tpu.memory_space<hbm>>
        %dma_wait3A_1936 = arith.constant 0 : i32
        %dma_wait3A_1937 = tpu.memref_slice %arg2[%add3A, %add3A_9, %dma_wait3A_1936] : memref<32x1664x100xi32, #tpu.memory_space<hbm>> -> memref<1x1x100xi32, #tpu.memory_space<hbm>>
        %dma_wait3A_1938 = tpu.memref_squeeze %dma_wait3A_1937 : memref<1x1x100xi32, #tpu.memory_space<hbm>> -> memref<100xi32, #tpu.memory_space<hbm>>
        tpu.wait_dma2 semaphore(%run_scoped3A : memref<!tpu.dma_semaphore, #tpu.memory_space<semaphore_mem>>) src(%dma_wait3A_1938 : memref<100xi32, #tpu.memory_space<hbm>>) dst(%arg5 : memref<100xi32, #tpu.memory_space<vmem>>)
        tpu.yield
      }) : () -> ()
      %dma_start3A = arith.constant 0 : i32
      %dma_start3A_10 = arith.constant 0 : i32
      %dma_start3A_11 = tpu.memref_slice %arg3[%dma_start3A, %dma_start3A_10] : memref<1000000x32xf32, #tpu.memory_space<hbm>> -> memref<1000000x32xf32, #tpu.memory_space<hbm>>
      tpu.enqueue_indirect_dma source(%dma_start3A_11 : memref<1000000x32xf32, #tpu.memory_space<hbm>>) target(%arg6 : memref<100x32xf32, #tpu.memory_space<vmem>>) offsets(%arg5 : memref<100xi32, #tpu.memory_space<vmem>>) semaphore(%arg8 : memref<!tpu.dma_semaphore, #tpu.memory_space<semaphore_mem>>)
      %dma_wait3A = arith.constant 0 : i32
      %dma_wait3A_12 = arith.constant 0 : i32
      %dma_wait3A_13 = tpu.memref_slice %arg3[%dma_wait3A, %dma_wait3A_12] : memref<1000000x32xf32, #tpu.memory_space<hbm>> -> memref<1000000x32xf32, #tpu.memory_space<hbm>>
      tpu.wait_indirect_dma semaphore(%arg8 : memref<!tpu.dma_semaphore, #tpu.memory_space<semaphore_mem>>) src(%dma_wait3A_13 : memref<1000000x32xf32, #tpu.memory_space<hbm>>) dst(%arg6 : memref<100x32xf32, #tpu.memory_space<vmem>>)
      %get3A = arith.constant 0 : index
      %get3A_14 = tpu.vector_load %arg5[%get3A] {strides = array<i32>} : memref<100xi32, #tpu.memory_space<vmem>>, vector<16xi32>,
      %get3A_15 = vector.shape_cast %get3A_14 : vector<16xi32> to vector<16xi32>
      %ne3A = arith.constant 0 : i32
      %ne3A_16 = vector.broadcast %ne3A : i32 to vector<16xi32>
      %ne3A_17 = arith.cmpi ne, %get3A_15, %ne3A_16 : vector<16xi32>
      %jit3A = arith.constant 1.000000e+00 : f32
      %jit3A_18 = arith.constant 0.000000e+00 : f32
      %broadcast_in_dim3A = vector.broadcast %jit3A : f32 to vector<16xf32>
      %broadcast_in_dim3A_19 = vector.broadcast %jit3A_18 : f32 to vector<16xf32>
      %select_n3A = arith.select %ne3A_17, %broadcast_in_dim3A, %broadcast_in_dim3A_19 : vector<16xi1>, vector<16xf32>
      %get3A_20 = arith.constant 16 : index
      %get3A_21 = tpu.vector_load %arg5[%get3A_20] {strides = array<i32>} : memref<100xi32, #tpu.memory_space<vmem>>, vector<16xi32>,
      %get3A_22 = vector.shape_cast %get3A_21 : vector<16xi32> to vector<16xi32>
      %ne3A_23 = arith.constant 0 : i32
      %ne3A_24 = vector.broadcast %ne3A_23 : i32 to vector<16xi32>
      %ne3A_25 = arith.cmpi ne, %get3A_22, %ne3A_24 : vector<16xi32>
      %jit3A_26 = arith.constant 1.000000e+00 : f32
      %jit3A_27 = arith.constant 0.000000e+00 : f32
      %broadcast_in_dim3A_28 = vector.broadcast %jit3A_26 : f32 to vector<16xf32>
      %broadcast_in_dim3A_29 = vector.broadcast %jit3A_27 : f32 to vector<16xf32>
      %select_n3A_30 = arith.select %ne3A_25, %broadcast_in_dim3A_28, %broadcast_in_dim3A_29 : vector<16xi1>, vector<16xf32>
      %get3A_31 = arith.constant 32 : index
      %get3A_32 = tpu.vector_load %arg5[%get3A_31] {strides = array<i32>} : memref<100xi32, #tpu.memory_space<vmem>>, vector<16xi32>,
      %get3A_33 = vector.shape_cast %get3A_32 : vector<16xi32> to vector<16xi32>
      %ne3A_34 = arith.constant 0 : i32
      %ne3A_35 = vector.broadcast %ne3A_34 : i32 to vector<16xi32>
      %ne3A_36 = arith.cmpi ne, %get3A_33, %ne3A_35 : vector<16xi32>
      %jit3A_37 = arith.constant 1.000000e+00 : f32
      %jit3A_38 = arith.constant 0.000000e+00 : f32
      %broadcast_in_dim3A_39 = vector.broadcast %jit3A_37 : f32 to vector<16xf32>
      %broadcast_in_dim3A_40 = vector.broadcast %jit3A_38 : f32 to vector<16xf32>
      %select_n3A_41 = arith.select %ne3A_36, %broadcast_in_dim3A_39, %broadcast_in_dim3A_40 : vector<16xi1>, vector<16xf32>
      %get3A_42 = arith.constant 34 : index
      %get3A_43 = tpu.vector_load %arg5[%get3A_42] {strides = array<i32>} : memref<100xi32, #tpu.memory_space<vmem>>, vector<16xi32>,
      %get3A_44 = vector.shape_cast %get3A_43 : vector<16xi32> to vector<16xi32>
      %ne3A_45 = arith.constant 0 : i32
      %ne3A_46 = vector.broadcast %ne3A_45 : i32 to vector<16xi32>
      %ne3A_47 = arith.cmpi ne, %get3A_44, %ne3A_46 : vector<16xi32>
      %jit3A_48 = arith.constant 1.000000e+00 : f32
      %jit3A_49 = arith.constant 0.000000e+00 : f32
      %broadcast_in_dim3A_50 = vector.broadcast %jit3A_48 : f32 to vector<16xf32>
      %broadcast_in_dim3A_51 = vector.broadcast %jit3A_49 : f32 to vector<16xf32>
      %select_n3A_52 = arith.select %ne3A_47, %broadcast_in_dim3A_50, %broadcast_in_dim3A_51 : vector<16xi1>, vector<16xf32>
      %broadcast_in_dim3A_53 = arith.constant 0.000000e+00 : f32
      %broadcast_in_dim3A_54 = vector.broadcast %broadcast_in_dim3A_53 : f32 to vector<16xf32>
      %broadcast_in_dim3A_55 = arith.constant 0.000000e+00 : f32
      %broadcast_in_dim3A_56 = vector.broadcast %broadcast_in_dim3A_55 : f32 to vector<16xf32>
      %broadcast_in_dim3A_57 = arith.constant 0 : i32
      %broadcast_in_dim3A_58 = vector.broadcast %broadcast_in_dim3A_57 : i32 to vector<16x1xi32>
      %gather3A = vector.shape_cast %broadcast_in_dim3A_58 : vector<16x1xi32> to vector<16xi32>
      %gather3A_59 = tpu.dynamic_gather %select_n3A[%gather3A] in [0] : vector<16xf32>, vector<16xi32> -> vector<16xf32>
      %get3A_60 = arith.constant 0 : i32
      %get3A_61 = arith.index_cast %get3A_60 : i32 to index
      %get3A_62 = arith.constant 0 : index
      %get3A_63 = tpu.vector_load %arg6[%get3A_61, %get3A_62] {strides = array<i32>} : memref<100x32xf32, #tpu.memory_space<vmem>>, vector<1x16xf32>,
      %get3A_64 = vector.shape_cast %get3A_63 : vector<1x16xf32> to vector<16xf32>
      %get3A_65 = arith.constant 0 : i32
      %get3A_66 = arith.index_cast %get3A_65 : i32 to index
      %get3A_67 = arith.constant 16 : index
      %get3A_68 = tpu.vector_load %arg6[%get3A_66, %get3A_67] {strides = array<i32>} : memref<100x32xf32, #tpu.memory_space<vmem>>, vector<1x16xf32>,
      %get3A_69 = vector.shape_cast %get3A_68 : vector<1x16xf32> to vector<16xf32>
      %mul3A_70 = arith.mulf %get3A_64, %gather3A_59 : vector<16xf32>
      %add3A_71 = arith.addf %broadcast_in_dim3A_54, %mul3A_70 : vector<16xf32>
      %mul3A_72 = arith.mulf %get3A_69, %gather3A_59 : vector<16xf32>
      %add3A_73 = arith.addf %broadcast_in_dim3A_56, %mul3A_72 : vector<16xf32>
      %broadcast_in_dim3A_74 = arith.constant 1 : i32
      %broadcast_in_dim3A_75 = vector.broadcast %broadcast_in_dim3A_74 : i32 to vector<16x1xi32>
      %gather3A_76 = vector.shape_cast %broadcast_in_dim3A_75 : vector<16x1xi32> to vector<16xi32>
      %gather3A_77 = tpu.dynamic_gather %select_n3A[%gather3A_76] in [0] : vector<16xf32>, vector<16xi32> -> vector<16xf32>
      %get3A_78 = arith.constant 1 : i32
      %get3A_79 = arith.index_cast %get3A_78 : i32 to index
      %get3A_80 = arith.constant 0 : index
      %get3A_81 = tpu.vector_load %arg6[%get3A_79, %get3A_80] {strides = array<i32>} : memref<100x32xf32, #tpu.memory_space<vmem>>, vector<1x16xf32>,
      %get3A_82 = vector.shape_cast %get3A_81 : vector<1x16xf32> to vector<16xf32>
      %get3A_83 = arith.constant 1 : i32
      %get3A_84 = arith.index_cast %get3A_83 : i32 to index
      %get3A_85 = arith.constant 16 : index
      %get3A_86 = tpu.vector_load %arg6[%get3A_84, %get3A_85] {strides = array<i32>} : memref<100x32xf32, #tpu.memory_space<vmem>>, vector<1x16xf32>,
      %get3A_87 = vector.shape_cast %get3A_86 : vector<1x16xf32> to vector<16xf32>
      %mul3A_88 = arith.mulf %get3A_82, %gather3A_77 : vector<16xf32>
      %add3A_89 = arith.addf %add3A_71, %mul3A_88 : vector<16xf32>
      %mul3A_90 = arith.mulf %get3A_87, %gather3A_77 : vector<16xf32>
      %add3A_91 = arith.addf %add3A_73, %mul3A_90 : vector<16xf32>
      %broadcast_in_dim3A_92 = arith.constant 2 : i32
      %broadcast_in_dim3A_93 = vector.broadcast %broadcast_in_dim3A_92 : i32 to vector<16x1xi32>
      %gather3A_94 = vector.shape_cast %broadcast_in_dim3A_93 : vector<16x1xi32> to vector<16xi32>
      %gather3A_95 = tpu.dynamic_gather %select_n3A[%gather3A_94] in [0] : vector<16xf32>, vector<16xi32> -> vector<16xf32>
      %get3A_96 = arith.constant 2 : i32
      %get3A_97 = arith.index_cast %get3A_96 : i32 to index
      %get3A_98 = arith.constant 0 : index
      %get3A_99 = tpu.vector_load %arg6[%get3A_97, %get3A_98] {strides = array<i32>} : memref<100x32xf32, #tpu.memory_space<vmem>>, vector<1x16xf32>,
      %get3A_100 = vector.shape_cast %get3A_99 : vector<1x16xf32> to vector<16xf32>
      %get3A_101 = arith.constant 2 : i32
      %get3A_102 = arith.index_cast %get3A_101 : i32 to index
      %get3A_103 = arith.constant 16 : index
      %get3A_104 = tpu.vector_load %arg6[%get3A_102, %get3A_103] {strides = array<i32>} : memref<100x32xf32, #tpu.memory_space<vmem>>, vector<1x16xf32>,
      %get3A_105 = vector.shape_cast %get3A_104 : vector<1x16xf32> to vector<16xf32>
      %mul3A_106 = arith.mulf %get3A_100, %gather3A_95 : vector<16xf32>
      %add3A_107 = arith.addf %add3A_89, %mul3A_106 : vector<16xf32>
      %mul3A_108 = arith.mulf %get3A_105, %gather3A_95 : vector<16xf32>
      %add3A_109 = arith.addf %add3A_91, %mul3A_108 : vector<16xf32>
      %broadcast_in_dim3A_110 = arith.constant 3 : i32
      %broadcast_in_dim3A_111 = vector.broadcast %broadcast_in_dim3A_110 : i32 to vector<16x1xi32>
      %gather3A_112 = vector.shape_cast %broadcast_in_dim3A_111 : vector<16x1xi32> to vector<16xi32>
      %gather3A_113 = tpu.dynamic_gather %select_n3A[%gather3A_112] in [0] : vector<16xf32>, vector<16xi32> -> vector<16xf32>
      %get3A_114 = arith.constant 3 : i32
      %get3A_115 = arith.index_cast %get3A_114 : i32 to index
      %get3A_116 = arith.constant 0 : index
      %get3A_117 = tpu.vector_load %arg6[%get3A_115, %get3A_116] {strides = array<i32>} : memref<100x32xf32, #tpu.memory_space<vmem>>, vector<1x16xf32>,
      %get3A_118 = vector.shape_cast %get3A_117 : vector<1x16xf32> to vector<16xf32>
      %get3A_119 = arith.constant 3 : i32
      %get3A_120 = arith.index_cast %get3A_119 : i32 to index
      %get3A_121 = arith.constant 16 : index
      %get3A_122 = tpu.vector_load %arg6[%get3A_120, %get3A_121] {strides = array<i32>} : memref<100x32xf32, #tpu.memory_space<vmem>>, vector<1x16xf32>,
      %get3A_123 = vector.shape_cast %get3A_122 : vector<1x16xf32> to vector<16xf32>
      %mul3A_124 = arith.mulf %get3A_118, %gather3A_113 : vector<16xf32>
      %add3A_125 = arith.addf %add3A_107, %mul3A_124 : vector<16xf32>
      %mul3A_126 = arith.mulf %get3A_123, %gather3A_113 : vector<16xf32>
      %add3A_127 = arith.addf %add3A_109, %mul3A_126 : vector<16xf32>
      %broadcast_in_dim3A_128 = arith.constant 4 : i32
      %broadcast_in_dim3A_129 = vector.broadcast %broadcast_in_dim3A_128 : i32 to vector<16x1xi32>
      %gather3A_130 = vector.shape_cast %broadcast_in_dim3A_129 : vector<16x1xi32> to vector<16xi32>
      %gather3A_131 = tpu.dynamic_gather %select_n3A[%gather3A_130] in [0] : vector<16xf32>, vector<16xi32> -> vector<16xf32>
      %get3A_132 = arith.constant 4 : i32
      %get3A_133 = arith.index_cast %get3A_132 : i32 to index
      %get3A_134 = arith.constant 0 : index
      %get3A_135 = tpu.vector_load %arg6[%get3A_133, %get3A_134] {strides = array<i32>} : memref<100x32xf32, #tpu.memory_space<vmem>>, vector<1x16xf32>,
      %get3A_136 = vector.shape_cast %get3A_135 : vector<1x16xf32> to vector<16xf32>
      %get3A_137 = arith.constant 4 : i32
      %get3A_138 = arith.index_cast %get3A_137 : i32 to index
      %get3A_139 = arith.constant 16 : index
      %get3A_140 = tpu.vector_load %arg6[%get3A_138, %get3A_139] {strides = array<i32>} : memref<100x32xf32, #tpu.memory_space<vmem>>, vector<1x16xf32>,
      %get3A_141 = vector.shape_cast %get3A_140 : vector<1x16xf32> to vector<16xf32>
      %mul3A_142 = arith.mulf %get3A_136, %gather3A_131 : vector<16xf32>
      %add3A_143 = arith.addf %add3A_125, %mul3A_142 : vector<16xf32>
      %mul3A_144 = arith.mulf %get3A_141, %gather3A_131 : vector<16xf32>
      %add3A_145 = arith.addf %add3A_127, %mul3A_144 : vector<16xf32>
      %broadcast_in_dim3A_146 = arith.constant 5 : i32
      %broadcast_in_dim3A_147 = vector.broadcast %broadcast_in_dim3A_146 : i32 to vector<16x1xi32>
      %gather3A_148 = vector.shape_cast %broadcast_in_dim3A_147 : vector<16x1xi32> to vector<16xi32>
      %gather3A_149 = tpu.dynamic_gather %select_n3A[%gather3A_148] in [0] : vector<16xf32>, vector<16xi32> -> vector<16xf32>
      %get3A_150 = arith.constant 5 : i32
      %get3A_151 = arith.index_cast %get3A_150 : i32 to index
      %get3A_152 = arith.constant 0 : index
      %get3A_153 = tpu.vector_load %arg6[%get3A_151, %get3A_152] {strides = array<i32>} : memref<100x32xf32, #tpu.memory_space<vmem>>, vector<1x16xf32>,
      %get3A_154 = vector.shape_cast %get3A_153 : vector<1x16xf32> to vector<16xf32>
      %get3A_155 = arith.constant 5 : i32
      %get3A_156 = arith.index_cast %get3A_155 : i32 to index
      %get3A_157 = arith.constant 16 : index
      %get3A_158 = tpu.vector_load %arg6[%get3A_156, %get3A_157] {strides = array<i32>} : memref<100x32xf32, #tpu.memory_space<vmem>>, vector<1x16xf32>,
      %get3A_159 = vector.shape_cast %get3A_158 : vector<1x16xf32> to vector<16xf32>
      %mul3A_160 = arith.mulf %get3A_154, %gather3A_149 : vector<16xf32>
      %add3A_161 = arith.addf %add3A_143, %mul3A_160 : vector<16xf32>
      %mul3A_162 = arith.mulf %get3A_159, %gather3A_149 : vector<16xf32>
      %add3A_163 = arith.addf %add3A_145, %mul3A_162 : vector<16xf32>
      %broadcast_in_dim3A_164 = arith.constant 6 : i32
      %broadcast_in_dim3A_165 = vector.broadcast %broadcast_in_dim3A_164 : i32 to vector<16x1xi32>
      %gather3A_166 = vector.shape_cast %broadcast_in_dim3A_165 : vector<16x1xi32> to vector<16xi32>
      %gather3A_167 = tpu.dynamic_gather %select_n3A[%gather3A_166] in [0] : vector<16xf32>, vector<16xi32> -> vector<16xf32>
      %get3A_168 = arith.constant 6 : i32
      %get3A_169 = arith.index_cast %get3A_168 : i32 to index
      %get3A_170 = arith.constant 0 : index
      %get3A_171 = tpu.vector_load %arg6[%get3A_169, %get3A_170] {strides = array<i32>} : memref<100x32xf32, #tpu.memory_space<vmem>>, vector<1x16xf32>,
      %get3A_172 = vector.shape_cast %get3A_171 : vector<1x16xf32> to vector<16xf32>
      %get3A_173 = arith.constant 6 : i32
      %get3A_174 = arith.index_cast %get3A_173 : i32 to index
      %get3A_175 = arith.constant 16 : index
      %get3A_176 = tpu.vector_load %arg6[%get3A_174, %get3A_175] {strides = array<i32>} : memref<100x32xf32, #tpu.memory_space<vmem>>, vector<1x16xf32>,
      %get3A_177 = vector.shape_cast %get3A_176 : vector<1x16xf32> to vector<16xf32>
      %mul3A_178 = arith.mulf %get3A_172, %gather3A_167 : vector<16xf32>
      %add3A_179 = arith.addf %add3A_161, %mul3A_178 : vector<16xf32>
      %mul3A_180 = arith.mulf %get3A_177, %gather3A_167 : vector<16xf32>
      %add3A_181 = arith.addf %add3A_163, %mul3A_180 : vector<16xf32>
      %broadcast_in_dim3A_182 = arith.constant 7 : i32
      %broadcast_in_dim3A_183 = vector.broadcast %broadcast_in_dim3A_182 : i32 to vector<16x1xi32>
      %gather3A_184 = vector.shape_cast %broadcast_in_dim3A_183 : vector<16x1xi32> to vector<16xi32>
      %gather3A_185 = tpu.dynamic_gather %select_n3A[%gather3A_184] in [0] : vector<16xf32>, vector<16xi32> -> vector<16xf32>
      %get3A_186 = arith.constant 7 : i32
      %get3A_187 = arith.index_cast %get3A_186 : i32 to index
      %get3A_188 = arith.constant 0 : index
      %get3A_189 = tpu.vector_load %arg6[%get3A_187, %get3A_188] {strides = array<i32>} : memref<100x32xf32, #tpu.memory_space<vmem>>, vector<1x16xf32>,
      %get3A_190 = vector.shape_cast %get3A_189 : vector<1x16xf32> to vector<16xf32>
      %get3A_191 = arith.constant 7 : i32
      %get3A_192 = arith.index_cast %get3A_191 : i32 to index
      %get3A_193 = arith.constant 16 : index
      %get3A_194 = tpu.vector_load %arg6[%get3A_192, %get3A_193] {strides = array<i32>} : memref<100x32xf32, #tpu.memory_space<vmem>>, vector<1x16xf32>,
      %get3A_195 = vector.shape_cast %get3A_194 : vector<1x16xf32> to vector<16xf32>
      %mul3A_196 = arith.mulf %get3A_190, %gather3A_185 : vector<16xf32>
      %add3A_197 = arith.addf %add3A_179, %mul3A_196 : vector<16xf32>
      %mul3A_198 = arith.mulf %get3A_195, %gather3A_185 : vector<16xf32>
      %add3A_199 = arith.addf %add3A_181, %mul3A_198 : vector<16xf32>
      %broadcast_in_dim3A_200 = arith.constant 8 : i32
      %broadcast_in_dim3A_201 = vector.broadcast %broadcast_in_dim3A_200 : i32 to vector<16x1xi32>
      %gather3A_202 = vector.shape_cast %broadcast_in_dim3A_201 : vector<16x1xi32> to vector<16xi32>
      %gather3A_203 = tpu.dynamic_gather %select_n3A[%gather3A_202] in [0] : vector<16xf32>, vector<16xi32> -> vector<16xf32>
      %get3A_204 = arith.constant 8 : i32
      %get3A_205 = arith.index_cast %get3A_204 : i32 to index
      %get3A_206 = arith.constant 0 : index
      %get3A_207 = tpu.vector_load %arg6[%get3A_205, %get3A_206] {strides = array<i32>} : memref<100x32xf32, #tpu.memory_space<vmem>>, vector<1x16xf32>,
      %get3A_208 = vector.shape_cast %get3A_207 : vector<1x16xf32> to vector<16xf32>
      %get3A_209 = arith.constant 8 : i32
      %get3A_210 = arith.index_cast %get3A_209 : i32 to index
      %get3A_211 = arith.constant 16 : index
      %get3A_212 = tpu.vector_load %arg6[%get3A_210, %get3A_211] {strides = array<i32>} : memref<100x32xf32, #tpu.memory_space<vmem>>, vector<1x16xf32>,
      %get3A_213 = vector.shape_cast %get3A_212 : vector<1x16xf32> to vector<16xf32>
      %mul3A_214 = arith.mulf %get3A_208, %gather3A_203 : vector<16xf32>
      %add3A_215 = arith.addf %add3A_197, %mul3A_214 : vector<16xf32>
      %mul3A_216 = arith.mulf %get3A_213, %gather3A_203 : vector<16xf32>
      %add3A_217 = arith.addf %add3A_199, %mul3A_216 : vector<16xf32>
      %broadcast_in_dim3A_218 = arith.constant 9 : i32
      %broadcast_in_dim3A_219 = vector.broadcast %broadcast_in_dim3A_218 : i32 to vector<16x1xi32>
      %gather3A_220 = vector.shape_cast %broadcast_in_dim3A_219 : vector<16x1xi32> to vector<16xi32>
      %gather3A_221 = tpu.dynamic_gather %select_n3A[%gather3A_220] in [0] : vector<16xf32>, vector<16xi32> -> vector<16xf32>
      %get3A_222 = arith.constant 9 : i32
      %get3A_223 = arith.index_cast %get3A_222 : i32 to index
      %get3A_224 = arith.constant 0 : index
      %get3A_225 = tpu.vector_load %arg6[%get3A_223, %get3A_224] {strides = array<i32>} : memref<100x32xf32, #tpu.memory_space<vmem>>, vector<1x16xf32>,
      %get3A_226 = vector.shape_cast %get3A_225 : vector<1x16xf32> to vector<16xf32>
      %get3A_227 = arith.constant 9 : i32
      %get3A_228 = arith.index_cast %get3A_227 : i32 to index
      %get3A_229 = arith.constant 16 : index
      %get3A_230 = tpu.vector_load %arg6[%get3A_228, %get3A_229] {strides = array<i32>} : memref<100x32xf32, #tpu.memory_space<vmem>>, vector<1x16xf32>,
      %get3A_231 = vector.shape_cast %get3A_230 : vector<1x16xf32> to vector<16xf32>
      %mul3A_232 = arith.mulf %get3A_226, %gather3A_221 : vector<16xf32>
      %add3A_233 = arith.addf %add3A_215, %mul3A_232 : vector<16xf32>
      %mul3A_234 = arith.mulf %get3A_231, %gather3A_221 : vector<16xf32>
      %add3A_235 = arith.addf %add3A_217, %mul3A_234 : vector<16xf32>
      %broadcast_in_dim3A_236 = arith.constant 10 : i32
      %broadcast_in_dim3A_237 = vector.broadcast %broadcast_in_dim3A_236 : i32 to vector<16x1xi32>
      %gather3A_238 = vector.shape_cast %broadcast_in_dim3A_237 : vector<16x1xi32> to vector<16xi32>
      %gather3A_239 = tpu.dynamic_gather %select_n3A[%gather3A_238] in [0] : vector<16xf32>, vector<16xi32> -> vector<16xf32>
      %get3A_240 = arith.constant 10 : i32
      %get3A_241 = arith.index_cast %get3A_240 : i32 to index
      %get3A_242 = arith.constant 0 : index
      %get3A_243 = tpu.vector_load %arg6[%get3A_241, %get3A_242] {strides = array<i32>} : memref<100x32xf32, #tpu.memory_space<vmem>>, vector<1x16xf32>,
      %get3A_244 = vector.shape_cast %get3A_243 : vector<1x16xf32> to vector<16xf32>
      %get3A_245 = arith.constant 10 : i32
      %get3A_246 = arith.index_cast %get3A_245 : i32 to index
      %get3A_247 = arith.constant 16 : index
      %get3A_248 = tpu.vector_load %arg6[%get3A_246, %get3A_247] {strides = array<i32>} : memref<100x32xf32, #tpu.memory_space<vmem>>, vector<1x16xf32>,
      %get3A_249 = vector.shape_cast %get3A_248 : vector<1x16xf32> to vector<16xf32>
      %mul3A_250 = arith.mulf %get3A_244, %gather3A_239 : vector<16xf32>
      %add3A_251 = arith.addf %add3A_233, %mul3A_250 : vector<16xf32>
      %mul3A_252 = arith.mulf %get3A_249, %gather3A_239 : vector<16xf32>
      %add3A_253 = arith.addf %add3A_235, %mul3A_252 : vector<16xf32>
      %broadcast_in_dim3A_254 = arith.constant 11 : i32
      %broadcast_in_dim3A_255 = vector.broadcast %broadcast_in_dim3A_254 : i32 to vector<16x1xi32>
      %gather3A_256 = vector.shape_cast %broadcast_in_dim3A_255 : vector<16x1xi32> to vector<16xi32>
      %gather3A_257 = tpu.dynamic_gather %select_n3A[%gather3A_256] in [0] : vector<16xf32>, vector<16xi32> -> vector<16xf32>
      %get3A_258 = arith.constant 11 : i32
      %get3A_259 = arith.index_cast %get3A_258 : i32 to index
      %get3A_260 = arith.constant 0 : index
      %get3A_261 = tpu.vector_load %arg6[%get3A_259, %get3A_260] {strides = array<i32>} : memref<100x32xf32, #tpu.memory_space<vmem>>, vector<1x16xf32>,
      %get3A_262 = vector.shape_cast %get3A_261 : vector<1x16xf32> to vector<16xf32>
      %get3A_263 = arith.constant 11 : i32
      %get3A_264 = arith.index_cast %get3A_263 : i32 to index
      %get3A_265 = arith.constant 16 : index
      %get3A_266 = tpu.vector_load %arg6[%get3A_264, %get3A_265] {strides = array<i32>} : memref<100x32xf32, #tpu.memory_space<vmem>>, vector<1x16xf32>,
      %get3A_267 = vector.shape_cast %get3A_266 : vector<1x16xf32> to vector<16xf32>
      %mul3A_268 = arith.mulf %get3A_262, %gather3A_257 : vector<16xf32>
      %add3A_269 = arith.addf %add3A_251, %mul3A_268 : vector<16xf32>
      %mul3A_270 = arith.mulf %get3A_267, %gather3A_257 : vector<16xf32>
      %add3A_271 = arith.addf %add3A_253, %mul3A_270 : vector<16xf32>
      %broadcast_in_dim3A_272 = arith.constant 12 : i32
      %broadcast_in_dim3A_273 = vector.broadcast %broadcast_in_dim3A_272 : i32 to vector<16x1xi32>
      %gather3A_274 = vector.shape_cast %broadcast_in_dim3A_273 : vector<16x1xi32> to vector<16xi32>
      %gather3A_275 = tpu.dynamic_gather %select_n3A[%gather3A_274] in [0] : vector<16xf32>, vector<16xi32> -> vector<16xf32>
      %get3A_276 = arith.constant 12 : i32
      %get3A_277 = arith.index_cast %get3A_276 : i32 to index
      %get3A_278 = arith.constant 0 : index
      %get3A_279 = tpu.vector_load %arg6[%get3A_277, %get3A_278] {strides = array<i32>} : memref<100x32xf32, #tpu.memory_space<vmem>>, vector<1x16xf32>,
      %get3A_280 = vector.shape_cast %get3A_279 : vector<1x16xf32> to vector<16xf32>
      %get3A_281 = arith.constant 12 : i32
      %get3A_282 = arith.index_cast %get3A_281 : i32 to index
      %get3A_283 = arith.constant 16 : index
      %get3A_284 = tpu.vector_load %arg6[%get3A_282, %get3A_283] {strides = array<i32>} : memref<100x32xf32, #tpu.memory_space<vmem>>, vector<1x16xf32>,
      %get3A_285 = vector.shape_cast %get3A_284 : vector<1x16xf32> to vector<16xf32>
      %mul3A_286 = arith.mulf %get3A_280, %gather3A_275 : vector<16xf32>
      %add3A_287 = arith.addf %add3A_269, %mul3A_286 : vector<16xf32>
      %mul3A_288 = arith.mulf %get3A_285, %gather3A_275 : vector<16xf32>
      %add3A_289 = arith.addf %add3A_271, %mul3A_288 : vector<16xf32>
      %broadcast_in_dim3A_290 = arith.constant 13 : i32
      %broadcast_in_dim3A_291 = vector.broadcast %broadcast_in_dim3A_290 : i32 to vector<16x1xi32>
      %gather3A_292 = vector.shape_cast %broadcast_in_dim3A_291 : vector<16x1xi32> to vector<16xi32>
      %gather3A_293 = tpu.dynamic_gather %select_n3A[%gather3A_292] in [0] : vector<16xf32>, vector<16xi32> -> vector<16xf32>
      %get3A_294 = arith.constant 13 : i32
      %get3A_295 = arith.index_cast %get3A_294 : i32 to index
      %get3A_296 = arith.constant 0 : index
      %get3A_297 = tpu.vector_load %arg6[%get3A_295, %get3A_296] {strides = array<i32>} : memref<100x32xf32, #tpu.memory_space<vmem>>, vector<1x16xf32>,
      %get3A_298 = vector.shape_cast %get3A_297 : vector<1x16xf32> to vector<16xf32>
      %get3A_299 = arith.constant 13 : i32
      %get3A_300 = arith.index_cast %get3A_299 : i32 to index
      %get3A_301 = arith.constant 16 : index
      %get3A_302 = tpu.vector_load %arg6[%get3A_300, %get3A_301] {strides = array<i32>} : memref<100x32xf32, #tpu.memory_space<vmem>>, vector<1x16xf32>,
      %get3A_303 = vector.shape_cast %get3A_302 : vector<1x16xf32> to vector<16xf32>
      %mul3A_304 = arith.mulf %get3A_298, %gather3A_293 : vector<16xf32>
      %add3A_305 = arith.addf %add3A_287, %mul3A_304 : vector<16xf32>
      %mul3A_306 = arith.mulf %get3A_303, %gather3A_293 : vector<16xf32>
      %add3A_307 = arith.addf %add3A_289, %mul3A_306 : vector<16xf32>
      %broadcast_in_dim3A_308 = arith.constant 14 : i32
      %broadcast_in_dim3A_309 = vector.broadcast %broadcast_in_dim3A_308 : i32 to vector<16x1xi32>
      %gather3A_310 = vector.shape_cast %broadcast_in_dim3A_309 : vector<16x1xi32> to vector<16xi32>
      %gather3A_311 = tpu.dynamic_gather %select_n3A[%gather3A_310] in [0] : vector<16xf32>, vector<16xi32> -> vector<16xf32>
      %get3A_312 = arith.constant 14 : i32
      %get3A_313 = arith.index_cast %get3A_312 : i32 to index
      %get3A_314 = arith.constant 0 : index
      %get3A_315 = tpu.vector_load %arg6[%get3A_313, %get3A_314] {strides = array<i32>} : memref<100x32xf32, #tpu.memory_space<vmem>>, vector<1x16xf32>,
      %get3A_316 = vector.shape_cast %get3A_315 : vector<1x16xf32> to vector<16xf32>
      %get3A_317 = arith.constant 14 : i32
      %get3A_318 = arith.index_cast %get3A_317 : i32 to index
      %get3A_319 = arith.constant 16 : index
      %get3A_320 = tpu.vector_load %arg6[%get3A_318, %get3A_319] {strides = array<i32>} : memref<100x32xf32, #tpu.memory_space<vmem>>, vector<1x16xf32>,
      %get3A_321 = vector.shape_cast %get3A_320 : vector<1x16xf32> to vector<16xf32>
      %mul3A_322 = arith.mulf %get3A_316, %gather3A_311 : vector<16xf32>
      %add3A_323 = arith.addf %add3A_305, %mul3A_322 : vector<16xf32>
      %mul3A_324 = arith.mulf %get3A_321, %gather3A_311 : vector<16xf32>
      %add3A_325 = arith.addf %add3A_307, %mul3A_324 : vector<16xf32>
      %broadcast_in_dim3A_326 = arith.constant 15 : i32
      %broadcast_in_dim3A_327 = vector.broadcast %broadcast_in_dim3A_326 : i32 to vector<16x1xi32>
      %gather3A_328 = vector.shape_cast %broadcast_in_dim3A_327 : vector<16x1xi32> to vector<16xi32>
      %gather3A_329 = tpu.dynamic_gather %select_n3A[%gather3A_328] in [0] : vector<16xf32>, vector<16xi32> -> vector<16xf32>
      %get3A_330 = arith.constant 15 : i32
      %get3A_331 = arith.index_cast %get3A_330 : i32 to index
      %get3A_332 = arith.constant 0 : index
      %get3A_333 = tpu.vector_load %arg6[%get3A_331, %get3A_332] {strides = array<i32>} : memref<100x32xf32, #tpu.memory_space<vmem>>, vector<1x16xf32>,
      %get3A_334 = vector.shape_cast %get3A_333 : vector<1x16xf32> to vector<16xf32>
      %get3A_335 = arith.constant 15 : i32
      %get3A_336 = arith.index_cast %get3A_335 : i32 to index
      %get3A_337 = arith.constant 16 : index
      %get3A_338 = tpu.vector_load %arg6[%get3A_336, %get3A_337] {strides = array<i32>} : memref<100x32xf32, #tpu.memory_space<vmem>>, vector<1x16xf32>,
      %get3A_339 = vector.shape_cast %get3A_338 : vector<1x16xf32> to vector<16xf32>
      %mul3A_340 = arith.mulf %get3A_334, %gather3A_329 : vector<16xf32>
      %add3A_341 = arith.addf %add3A_323, %mul3A_340 : vector<16xf32>
      %mul3A_342 = arith.mulf %get3A_339, %gather3A_329 : vector<16xf32>
      %add3A_343 = arith.addf %add3A_325, %mul3A_342 : vector<16xf32>
      %broadcast_in_dim3A_344 = arith.constant 0 : i32
      %broadcast_in_dim3A_345 = vector.broadcast %broadcast_in_dim3A_344 : i32 to vector<16x1xi32>
      %gather3A_346 = vector.shape_cast %broadcast_in_dim3A_345 : vector<16x1xi32> to vector<16xi32>
      %gather3A_347 = tpu.dynamic_gather %select_n3A_30[%gather3A_346] in [0] : vector<16xf32>, vector<16xi32> -> vector<16xf32>
      %get3A_348 = arith.constant 16 : i32
      %get3A_349 = arith.index_cast %get3A_348 : i32 to index
      %get3A_350 = arith.constant 0 : index
      %get3A_351 = tpu.vector_load %arg6[%get3A_349, %get3A_350] {strides = array<i32>} : memref<100x32xf32, #tpu.memory_space<vmem>>, vector<1x16xf32>,
      %get3A_352 = vector.shape_cast %get3A_351 : vector<1x16xf32> to vector<16xf32>
      %get3A_353 = arith.constant 16 : i32
      %get3A_354 = arith.index_cast %get3A_353 : i32 to index
      %get3A_355 = arith.constant 16 : index
      %get3A_356 = tpu.vector_load %arg6[%get3A_354, %get3A_355] {strides = array<i32>} : memref<100x32xf32, #tpu.memory_space<vmem>>, vector<1x16xf32>,
      %get3A_357 = vector.shape_cast %get3A_356 : vector<1x16xf32> to vector<16xf32>
      %mul3A_358 = arith.mulf %get3A_352, %gather3A_347 : vector<16xf32>
      %add3A_359 = arith.addf %add3A_341, %mul3A_358 : vector<16xf32>
      %mul3A_360 = arith.mulf %get3A_357, %gather3A_347 : vector<16xf32>
      %add3A_361 = arith.addf %add3A_343, %mul3A_360 : vector<16xf32>
      %broadcast_in_dim3A_362 = arith.constant 1 : i32
      %broadcast_in_dim3A_363 = vector.broadcast %broadcast_in_dim3A_362 : i32 to vector<16x1xi32>
      %gather3A_364 = vector.shape_cast %broadcast_in_dim3A_363 : vector<16x1xi32> to vector<16xi32>
      %gather3A_365 = tpu.dynamic_gather %select_n3A_30[%gather3A_364] in [0] : vector<16xf32>, vector<16xi32> -> vector<16xf32>
      %get3A_366 = arith.constant 17 : i32
      %get3A_367 = arith.index_cast %get3A_366 : i32 to index
      %get3A_368 = arith.constant 0 : index
      %get3A_369 = tpu.vector_load %arg6[%get3A_367, %get3A_368] {strides = array<i32>} : memref<100x32xf32, #tpu.memory_space<vmem>>, vector<1x16xf32>,
      %get3A_370 = vector.shape_cast %get3A_369 : vector<1x16xf32> to vector<16xf32>
      %get3A_371 = arith.constant 17 : i32
      %get3A_372 = arith.index_cast %get3A_371 : i32 to index
      %get3A_373 = arith.constant 16 : index
      %get3A_374 = tpu.vector_load %arg6[%get3A_372, %get3A_373] {strides = array<i32>} : memref<100x32xf32, #tpu.memory_space<vmem>>, vector<1x16xf32>,
      %get3A_375 = vector.shape_cast %get3A_374 : vector<1x16xf32> to vector<16xf32>
      %mul3A_376 = arith.mulf %get3A_370, %gather3A_365 : vector<16xf32>
      %add3A_377 = arith.addf %add3A_359, %mul3A_376 : vector<16xf32>
      %mul3A_378 = arith.mulf %get3A_375, %gather3A_365 : vector<16xf32>
      %add3A_379 = arith.addf %add3A_361, %mul3A_378 : vector<16xf32>
      %broadcast_in_dim3A_380 = arith.constant 2 : i32
      %broadcast_in_dim3A_381 = vector.broadcast %broadcast_in_dim3A_380 : i32 to vector<16x1xi32>
      %gather3A_382 = vector.shape_cast %broadcast_in_dim3A_381 : vector<16x1xi32> to vector<16xi32>
      %gather3A_383 = tpu.dynamic_gather %select_n3A_30[%gather3A_382] in [0] : vector<16xf32>, vector<16xi32> -> vector<16xf32>
      %get3A_384 = arith.constant 18 : i32
      %get3A_385 = arith.index_cast %get3A_384 : i32 to index
      %get3A_386 = arith.constant 0 : index
      %get3A_387 = tpu.vector_load %arg6[%get3A_385, %get3A_386] {strides = array<i32>} : memref<100x32xf32, #tpu.memory_space<vmem>>, vector<1x16xf32>,
      %get3A_388 = vector.shape_cast %get3A_387 : vector<1x16xf32> to vector<16xf32>
      %get3A_389 = arith.constant 18 : i32
      %get3A_390 = arith.index_cast %get3A_389 : i32 to index
      %get3A_391 = arith.constant 16 : index
      %get3A_392 = tpu.vector_load %arg6[%get3A_390, %get3A_391] {strides = array<i32>} : memref<100x32xf32, #tpu.memory_space<vmem>>, vector<1x16xf32>,
      %get3A_393 = vector.shape_cast %get3A_392 : vector<1x16xf32> to vector<16xf32>
      %mul3A_394 = arith.mulf %get3A_388, %gather3A_383 : vector<16xf32>
      %add3A_395 = arith.addf %add3A_377, %mul3A_394 : vector<16xf32>
      %mul3A_396 = arith.mulf %get3A_393, %gather3A_383 : vector<16xf32>
      %add3A_397 = arith.addf %add3A_379, %mul3A_396 : vector<16xf32>
      %broadcast_in_dim3A_398 = arith.constant 3 : i32
      %broadcast_in_dim3A_399 = vector.broadcast %broadcast_in_dim3A_398 : i32 to vector<16x1xi32>
      %gather3A_400 = vector.shape_cast %broadcast_in_dim3A_399 : vector<16x1xi32> to vector<16xi32>
      %gather3A_401 = tpu.dynamic_gather %select_n3A_30[%gather3A_400] in [0] : vector<16xf32>, vector<16xi32> -> vector<16xf32>
      %get3A_402 = arith.constant 19 : i32
      %get3A_403 = arith.index_cast %get3A_402 : i32 to index
      %get3A_404 = arith.constant 0 : index
      %get3A_405 = tpu.vector_load %arg6[%get3A_403, %get3A_404] {strides = array<i32>} : memref<100x32xf32, #tpu.memory_space<vmem>>, vector<1x16xf32>,
      %get3A_406 = vector.shape_cast %get3A_405 : vector<1x16xf32> to vector<16xf32>
      %get3A_407 = arith.constant 19 : i32
      %get3A_408 = arith.index_cast %get3A_407 : i32 to index
      %get3A_409 = arith.constant 16 : index
      %get3A_410 = tpu.vector_load %arg6[%get3A_408, %get3A_409] {strides = array<i32>} : memref<100x32xf32, #tpu.memory_space<vmem>>, vector<1x16xf32>,
      %get3A_411 = vector.shape_cast %get3A_410 : vector<1x16xf32> to vector<16xf32>
      %mul3A_412 = arith.mulf %get3A_406, %gather3A_401 : vector<16xf32>
      %add3A_413 = arith.addf %add3A_395, %mul3A_412 : vector<16xf32>
      %mul3A_414 = arith.mulf %get3A_411, %gather3A_401 : vector<16xf32>
      %add3A_415 = arith.addf %add3A_397, %mul3A_414 : vector<16xf32>
      %broadcast_in_dim3A_416 = arith.constant 4 : i32
      %broadcast_in_dim3A_417 = vector.broadcast %broadcast_in_dim3A_416 : i32 to vector<16x1xi32>
      %gather3A_418 = vector.shape_cast %broadcast_in_dim3A_417 : vector<16x1xi32> to vector<16xi32>
      %gather3A_419 = tpu.dynamic_gather %select_n3A_30[%gather3A_418] in [0] : vector<16xf32>, vector<16xi32> -> vector<16xf32>
      %get3A_420 = arith.constant 20 : i32
      %get3A_421 = arith.index_cast %get3A_420 : i32 to index
      %get3A_422 = arith.constant 0 : index
      %get3A_423 = tpu.vector_load %arg6[%get3A_421, %get3A_422] {strides = array<i32>} : memref<100x32xf32, #tpu.memory_space<vmem>>, vector<1x16xf32>,
      %get3A_424 = vector.shape_cast %get3A_423 : vector<1x16xf32> to vector<16xf32>
      %get3A_425 = arith.constant 20 : i32
      %get3A_426 = arith.index_cast %get3A_425 : i32 to index
      %get3A_427 = arith.constant 16 : index
      %get3A_428 = tpu.vector_load %arg6[%get3A_426, %get3A_427] {strides = array<i32>} : memref<100x32xf32, #tpu.memory_space<vmem>>, vector<1x16xf32>,
      %get3A_429 = vector.shape_cast %get3A_428 : vector<1x16xf32> to vector<16xf32>
      %mul3A_430 = arith.mulf %get3A_424, %gather3A_419 : vector<16xf32>
      %add3A_431 = arith.addf %add3A_413, %mul3A_430 : vector<16xf32>
      %mul3A_432 = arith.mulf %get3A_429, %gather3A_419 : vector<16xf32>
      %add3A_433 = arith.addf %add3A_415, %mul3A_432 : vector<16xf32>
      %broadcast_in_dim3A_434 = arith.constant 5 : i32
      %broadcast_in_dim3A_435 = vector.broadcast %broadcast_in_dim3A_434 : i32 to vector<16x1xi32>
      %gather3A_436 = vector.shape_cast %broadcast_in_dim3A_435 : vector<16x1xi32> to vector<16xi32>
      %gather3A_437 = tpu.dynamic_gather %select_n3A_30[%gather3A_436] in [0] : vector<16xf32>, vector<16xi32> -> vector<16xf32>
      %get3A_438 = arith.constant 21 : i32
      %get3A_439 = arith.index_cast %get3A_438 : i32 to index
      %get3A_440 = arith.constant 0 : index
      %get3A_441 = tpu.vector_load %arg6[%get3A_439, %get3A_440] {strides = array<i32>} : memref<100x32xf32, #tpu.memory_space<vmem>>, vector<1x16xf32>,
      %get3A_442 = vector.shape_cast %get3A_441 : vector<1x16xf32> to vector<16xf32>
      %get3A_443 = arith.constant 21 : i32
      %get3A_444 = arith.index_cast %get3A_443 : i32 to index
      %get3A_445 = arith.constant 16 : index
      %get3A_446 = tpu.vector_load %arg6[%get3A_444, %get3A_445] {strides = array<i32>} : memref<100x32xf32, #tpu.memory_space<vmem>>, vector<1x16xf32>,
      %get3A_447 = vector.shape_cast %get3A_446 : vector<1x16xf32> to vector<16xf32>
      %mul3A_448 = arith.mulf %get3A_442, %gather3A_437 : vector<16xf32>
      %add3A_449 = arith.addf %add3A_431, %mul3A_448 : vector<16xf32>
      %mul3A_450 = arith.mulf %get3A_447, %gather3A_437 : vector<16xf32>
      %add3A_451 = arith.addf %add3A_433, %mul3A_450 : vector<16xf32>
      %broadcast_in_dim3A_452 = arith.constant 6 : i32
      %broadcast_in_dim3A_453 = vector.broadcast %broadcast_in_dim3A_452 : i32 to vector<16x1xi32>
      %gather3A_454 = vector.shape_cast %broadcast_in_dim3A_453 : vector<16x1xi32> to vector<16xi32>
      %gather3A_455 = tpu.dynamic_gather %select_n3A_30[%gather3A_454] in [0] : vector<16xf32>, vector<16xi32> -> vector<16xf32>
      %get3A_456 = arith.constant 22 : i32
      %get3A_457 = arith.index_cast %get3A_456 : i32 to index
      %get3A_458 = arith.constant 0 : index
      %get3A_459 = tpu.vector_load %arg6[%get3A_457, %get3A_458] {strides = array<i32>} : memref<100x32xf32, #tpu.memory_space<vmem>>, vector<1x16xf32>,
      %get3A_460 = vector.shape_cast %get3A_459 : vector<1x16xf32> to vector<16xf32>
      %get3A_461 = arith.constant 22 : i32
      %get3A_462 = arith.index_cast %get3A_461 : i32 to index
      %get3A_463 = arith.constant 16 : index
      %get3A_464 = tpu.vector_load %arg6[%get3A_462, %get3A_463] {strides = array<i32>} : memref<100x32xf32, #tpu.memory_space<vmem>>, vector<1x16xf32>,
      %get3A_465 = vector.shape_cast %get3A_464 : vector<1x16xf32> to vector<16xf32>
      %mul3A_466 = arith.mulf %get3A_460, %gather3A_455 : vector<16xf32>
      %add3A_467 = arith.addf %add3A_449, %mul3A_466 : vector<16xf32>
      %mul3A_468 = arith.mulf %get3A_465, %gather3A_455 : vector<16xf32>
      %add3A_469 = arith.addf %add3A_451, %mul3A_468 : vector<16xf32>
      %broadcast_in_dim3A_470 = arith.constant 7 : i32
      %broadcast_in_dim3A_471 = vector.broadcast %broadcast_in_dim3A_470 : i32 to vector<16x1xi32>
      %gather3A_472 = vector.shape_cast %broadcast_in_dim3A_471 : vector<16x1xi32> to vector<16xi32>
      %gather3A_473 = tpu.dynamic_gather %select_n3A_30[%gather3A_472] in [0] : vector<16xf32>, vector<16xi32> -> vector<16xf32>
      %get3A_474 = arith.constant 23 : i32
      %get3A_475 = arith.index_cast %get3A_474 : i32 to index
      %get3A_476 = arith.constant 0 : index
      %get3A_477 = tpu.vector_load %arg6[%get3A_475, %get3A_476] {strides = array<i32>} : memref<100x32xf32, #tpu.memory_space<vmem>>, vector<1x16xf32>,
      %get3A_478 = vector.shape_cast %get3A_477 : vector<1x16xf32> to vector<16xf32>
      %get3A_479 = arith.constant 23 : i32
      %get3A_480 = arith.index_cast %get3A_479 : i32 to index
      %get3A_481 = arith.constant 16 : index
      %get3A_482 = tpu.vector_load %arg6[%get3A_480, %get3A_481] {strides = array<i32>} : memref<100x32xf32, #tpu.memory_space<vmem>>, vector<1x16xf32>,
      %get3A_483 = vector.shape_cast %get3A_482 : vector<1x16xf32> to vector<16xf32>
      %mul3A_484 = arith.mulf %get3A_478, %gather3A_473 : vector<16xf32>
      %add3A_485 = arith.addf %add3A_467, %mul3A_484 : vector<16xf32>
      %mul3A_486 = arith.mulf %get3A_483, %gather3A_473 : vector<16xf32>
      %add3A_487 = arith.addf %add3A_469, %mul3A_486 : vector<16xf32>
      %broadcast_in_dim3A_488 = arith.constant 8 : i32
      %broadcast_in_dim3A_489 = vector.broadcast %broadcast_in_dim3A_488 : i32 to vector<16x1xi32>
      %gather3A_490 = vector.shape_cast %broadcast_in_dim3A_489 : vector<16x1xi32> to vector<16xi32>
      %gather3A_491 = tpu.dynamic_gather %select_n3A_30[%gather3A_490] in [0] : vector<16xf32>, vector<16xi32> -> vector<16xf32>
      %get3A_492 = arith.constant 24 : i32
      %get3A_493 = arith.index_cast %get3A_492 : i32 to index
      %get3A_494 = arith.constant 0 : index
      %get3A_495 = tpu.vector_load %arg6[%get3A_493, %get3A_494] {strides = array<i32>} : memref<100x32xf32, #tpu.memory_space<vmem>>, vector<1x16xf32>,
      %get3A_496 = vector.shape_cast %get3A_495 : vector<1x16xf32> to vector<16xf32>
      %get3A_497 = arith.constant 24 : i32
      %get3A_498 = arith.index_cast %get3A_497 : i32 to index
      %get3A_499 = arith.constant 16 : index
      %get3A_500 = tpu.vector_load %arg6[%get3A_498, %get3A_499] {strides = array<i32>} : memref<100x32xf32, #tpu.memory_space<vmem>>, vector<1x16xf32>,
      %get3A_501 = vector.shape_cast %get3A_500 : vector<1x16xf32> to vector<16xf32>
      %mul3A_502 = arith.mulf %get3A_496, %gather3A_491 : vector<16xf32>
      %add3A_503 = arith.addf %add3A_485, %mul3A_502 : vector<16xf32>
      %mul3A_504 = arith.mulf %get3A_501, %gather3A_491 : vector<16xf32>
      %add3A_505 = arith.addf %add3A_487, %mul3A_504 : vector<16xf32>
      %broadcast_in_dim3A_506 = arith.constant 9 : i32
      %broadcast_in_dim3A_507 = vector.broadcast %broadcast_in_dim3A_506 : i32 to vector<16x1xi32>
      %gather3A_508 = vector.shape_cast %broadcast_in_dim3A_507 : vector<16x1xi32> to vector<16xi32>
      %gather3A_509 = tpu.dynamic_gather %select_n3A_30[%gather3A_508] in [0] : vector<16xf32>, vector<16xi32> -> vector<16xf32>
      %get3A_510 = arith.constant 25 : i32
      %get3A_511 = arith.index_cast %get3A_510 : i32 to index
      %get3A_512 = arith.constant 0 : index
      %get3A_513 = tpu.vector_load %arg6[%get3A_511, %get3A_512] {strides = array<i32>} : memref<100x32xf32, #tpu.memory_space<vmem>>, vector<1x16xf32>,
      %get3A_514 = vector.shape_cast %get3A_513 : vector<1x16xf32> to vector<16xf32>
      %get3A_515 = arith.constant 25 : i32
      %get3A_516 = arith.index_cast %get3A_515 : i32 to index
      %get3A_517 = arith.constant 16 : index
      %get3A_518 = tpu.vector_load %arg6[%get3A_516, %get3A_517] {strides = array<i32>} : memref<100x32xf32, #tpu.memory_space<vmem>>, vector<1x16xf32>,
      %get3A_519 = vector.shape_cast %get3A_518 : vector<1x16xf32> to vector<16xf32>
      %mul3A_520 = arith.mulf %get3A_514, %gather3A_509 : vector<16xf32>
      %add3A_521 = arith.addf %add3A_503, %mul3A_520 : vector<16xf32>
      %mul3A_522 = arith.mulf %get3A_519, %gather3A_509 : vector<16xf32>
      %add3A_523 = arith.addf %add3A_505, %mul3A_522 : vector<16xf32>
      %broadcast_in_dim3A_524 = arith.constant 10 : i32
      %broadcast_in_dim3A_525 = vector.broadcast %broadcast_in_dim3A_524 : i32 to vector<16x1xi32>
      %gather3A_526 = vector.shape_cast %broadcast_in_dim3A_525 : vector<16x1xi32> to vector<16xi32>
      %gather3A_527 = tpu.dynamic_gather %select_n3A_30[%gather3A_526] in [0] : vector<16xf32>, vector<16xi32> -> vector<16xf32>
      %get3A_528 = arith.constant 26 : i32
      %get3A_529 = arith.index_cast %get3A_528 : i32 to index
      %get3A_530 = arith.constant 0 : index
      %get3A_531 = tpu.vector_load %arg6[%get3A_529, %get3A_530] {strides = array<i32>} : memref<100x32xf32, #tpu.memory_space<vmem>>, vector<1x16xf32>,
      %get3A_532 = vector.shape_cast %get3A_531 : vector<1x16xf32> to vector<16xf32>
      %get3A_533 = arith.constant 26 : i32
      %get3A_534 = arith.index_cast %get3A_533 : i32 to index
      %get3A_535 = arith.constant 16 : index
      %get3A_536 = tpu.vector_load %arg6[%get3A_534, %get3A_535] {strides = array<i32>} : memref<100x32xf32, #tpu.memory_space<vmem>>, vector<1x16xf32>,
      %get3A_537 = vector.shape_cast %get3A_536 : vector<1x16xf32> to vector<16xf32>
      %mul3A_538 = arith.mulf %get3A_532, %gather3A_527 : vector<16xf32>
      %add3A_539 = arith.addf %add3A_521, %mul3A_538 : vector<16xf32>
      %mul3A_540 = arith.mulf %get3A_537, %gather3A_527 : vector<16xf32>
      %add3A_541 = arith.addf %add3A_523, %mul3A_540 : vector<16xf32>
      %broadcast_in_dim3A_542 = arith.constant 11 : i32
      %broadcast_in_dim3A_543 = vector.broadcast %broadcast_in_dim3A_542 : i32 to vector<16x1xi32>
      %gather3A_544 = vector.shape_cast %broadcast_in_dim3A_543 : vector<16x1xi32> to vector<16xi32>
      %gather3A_545 = tpu.dynamic_gather %select_n3A_30[%gather3A_544] in [0] : vector<16xf32>, vector<16xi32> -> vector<16xf32>
      %get3A_546 = arith.constant 27 : i32
      %get3A_547 = arith.index_cast %get3A_546 : i32 to index
      %get3A_548 = arith.constant 0 : index
      %get3A_549 = tpu.vector_load %arg6[%get3A_547, %get3A_548] {strides = array<i32>} : memref<100x32xf32, #tpu.memory_space<vmem>>, vector<1x16xf32>,
      %get3A_550 = vector.shape_cast %get3A_549 : vector<1x16xf32> to vector<16xf32>
      %get3A_551 = arith.constant 27 : i32
      %get3A_552 = arith.index_cast %get3A_551 : i32 to index
      %get3A_553 = arith.constant 16 : index
      %get3A_554 = tpu.vector_load %arg6[%get3A_552, %get3A_553] {strides = array<i32>} : memref<100x32xf32, #tpu.memory_space<vmem>>, vector<1x16xf32>,
      %get3A_555 = vector.shape_cast %get3A_554 : vector<1x16xf32> to vector<16xf32>
      %mul3A_556 = arith.mulf %get3A_550, %gather3A_545 : vector<16xf32>
      %add3A_557 = arith.addf %add3A_539, %mul3A_556 : vector<16xf32>
      %mul3A_558 = arith.mulf %get3A_555, %gather3A_545 : vector<16xf32>
      %add3A_559 = arith.addf %add3A_541, %mul3A_558 : vector<16xf32>
      %broadcast_in_dim3A_560 = arith.constant 12 : i32
      %broadcast_in_dim3A_561 = vector.broadcast %broadcast_in_dim3A_560 : i32 to vector<16x1xi32>
      %gather3A_562 = vector.shape_cast %broadcast_in_dim3A_561 : vector<16x1xi32> to vector<16xi32>
      %gather3A_563 = tpu.dynamic_gather %select_n3A_30[%gather3A_562] in [0] : vector<16xf32>, vector<16xi32> -> vector<16xf32>
      %get3A_564 = arith.constant 28 : i32
      %get3A_565 = arith.index_cast %get3A_564 : i32 to index
      %get3A_566 = arith.constant 0 : index
      %get3A_567 = tpu.vector_load %arg6[%get3A_565, %get3A_566] {strides = array<i32>} : memref<100x32xf32, #tpu.memory_space<vmem>>, vector<1x16xf32>,
      %get3A_568 = vector.shape_cast %get3A_567 : vector<1x16xf32> to vector<16xf32>
      %get3A_569 = arith.constant 28 : i32
      %get3A_570 = arith.index_cast %get3A_569 : i32 to index
      %get3A_571 = arith.constant 16 : index
      %get3A_572 = tpu.vector_load %arg6[%get3A_570, %get3A_571] {strides = array<i32>} : memref<100x32xf32, #tpu.memory_space<vmem>>, vector<1x16xf32>,
      %get3A_573 = vector.shape_cast %get3A_572 : vector<1x16xf32> to vector<16xf32>
      %mul3A_574 = arith.mulf %get3A_568, %gather3A_563 : vector<16xf32>
      %add3A_575 = arith.addf %add3A_557, %mul3A_574 : vector<16xf32>
      %mul3A_576 = arith.mulf %get3A_573, %gather3A_563 : vector<16xf32>
      %add3A_577 = arith.addf %add3A_559, %mul3A_576 : vector<16xf32>
      %broadcast_in_dim3A_578 = arith.constant 13 : i32
      %broadcast_in_dim3A_579 = vector.broadcast %broadcast_in_dim3A_578 : i32 to vector<16x1xi32>
      %gather3A_580 = vector.shape_cast %broadcast_in_dim3A_579 : vector<16x1xi32> to vector<16xi32>
      %gather3A_581 = tpu.dynamic_gather %select_n3A_30[%gather3A_580] in [0] : vector<16xf32>, vector<16xi32> -> vector<16xf32>
      %get3A_582 = arith.constant 29 : i32
      %get3A_583 = arith.index_cast %get3A_582 : i32 to index
      %get3A_584 = arith.constant 0 : index
      %get3A_585 = tpu.vector_load %arg6[%get3A_583, %get3A_584] {strides = array<i32>} : memref<100x32xf32, #tpu.memory_space<vmem>>, vector<1x16xf32>,
      %get3A_586 = vector.shape_cast %get3A_585 : vector<1x16xf32> to vector<16xf32>
      %get3A_587 = arith.constant 29 : i32
      %get3A_588 = arith.index_cast %get3A_587 : i32 to index
      %get3A_589 = arith.constant 16 : index
      %get3A_590 = tpu.vector_load %arg6[%get3A_588, %get3A_589] {strides = array<i32>} : memref<100x32xf32, #tpu.memory_space<vmem>>, vector<1x16xf32>,
      %get3A_591 = vector.shape_cast %get3A_590 : vector<1x16xf32> to vector<16xf32>
      %mul3A_592 = arith.mulf %get3A_586, %gather3A_581 : vector<16xf32>
      %add3A_593 = arith.addf %add3A_575, %mul3A_592 : vector<16xf32>
      %mul3A_594 = arith.mulf %get3A_591, %gather3A_581 : vector<16xf32>
      %add3A_595 = arith.addf %add3A_577, %mul3A_594 : vector<16xf32>
      %broadcast_in_dim3A_596 = arith.constant 14 : i32
      %broadcast_in_dim3A_597 = vector.broadcast %broadcast_in_dim3A_596 : i32 to vector<16x1xi32>
      %gather3A_598 = vector.shape_cast %broadcast_in_dim3A_597 : vector<16x1xi32> to vector<16xi32>
      %gather3A_599 = tpu.dynamic_gather %select_n3A_30[%gather3A_598] in [0] : vector<16xf32>, vector<16xi32> -> vector<16xf32>
      %get3A_600 = arith.constant 30 : i32
      %get3A_601 = arith.index_cast %get3A_600 : i32 to index
      %get3A_602 = arith.constant 0 : index
      %get3A_603 = tpu.vector_load %arg6[%get3A_601, %get3A_602] {strides = array<i32>} : memref<100x32xf32, #tpu.memory_space<vmem>>, vector<1x16xf32>,
      %get3A_604 = vector.shape_cast %get3A_603 : vector<1x16xf32> to vector<16xf32>
      %get3A_605 = arith.constant 30 : i32
      %get3A_606 = arith.index_cast %get3A_605 : i32 to index
      %get3A_607 = arith.constant 16 : index
      %get3A_608 = tpu.vector_load %arg6[%get3A_606, %get3A_607] {strides = array<i32>} : memref<100x32xf32, #tpu.memory_space<vmem>>, vector<1x16xf32>,
      %get3A_609 = vector.shape_cast %get3A_608 : vector<1x16xf32> to vector<16xf32>
      %mul3A_610 = arith.mulf %get3A_604, %gather3A_599 : vector<16xf32>
      %add3A_611 = arith.addf %add3A_593, %mul3A_610 : vector<16xf32>
      %mul3A_612 = arith.mulf %get3A_609, %gather3A_599 : vector<16xf32>
      %add3A_613 = arith.addf %add3A_595, %mul3A_612 : vector<16xf32>
      %broadcast_in_dim3A_614 = arith.constant 15 : i32
      %broadcast_in_dim3A_615 = vector.broadcast %broadcast_in_dim3A_614 : i32 to vector<16x1xi32>
      %gather3A_616 = vector.shape_cast %broadcast_in_dim3A_615 : vector<16x1xi32> to vector<16xi32>
      %gather3A_617 = tpu.dynamic_gather %select_n3A_30[%gather3A_616] in [0] : vector<16xf32>, vector<16xi32> -> vector<16xf32>
      %get3A_618 = arith.constant 31 : i32
      %get3A_619 = arith.index_cast %get3A_618 : i32 to index
      %get3A_620 = arith.constant 0 : index
      %get3A_621 = tpu.vector_load %arg6[%get3A_619, %get3A_620] {strides = array<i32>} : memref<100x32xf32, #tpu.memory_space<vmem>>, vector<1x16xf32>,
      %get3A_622 = vector.shape_cast %get3A_621 : vector<1x16xf32> to vector<16xf32>
      %get3A_623 = arith.constant 31 : i32
      %get3A_624 = arith.index_cast %get3A_623 : i32 to index
      %get3A_625 = arith.constant 16 : index
      %get3A_626 = tpu.vector_load %arg6[%get3A_624, %get3A_625] {strides = array<i32>} : memref<100x32xf32, #tpu.memory_space<vmem>>, vector<1x16xf32>,
      %get3A_627 = vector.shape_cast %get3A_626 : vector<1x16xf32> to vector<16xf32>
      %mul3A_628 = arith.mulf %get3A_622, %gather3A_617 : vector<16xf32>
      %add3A_629 = arith.addf %add3A_611, %mul3A_628 : vector<16xf32>
      %mul3A_630 = arith.mulf %get3A_627, %gather3A_617 : vector<16xf32>
      %add3A_631 = arith.addf %add3A_613, %mul3A_630 : vector<16xf32>
      %broadcast_in_dim3A_632 = arith.constant 0 : i32
      %broadcast_in_dim3A_633 = vector.broadcast %broadcast_in_dim3A_632 : i32 to vector<16x1xi32>
      %gather3A_634 = vector.shape_cast %broadcast_in_dim3A_633 : vector<16x1xi32> to vector<16xi32>
      %gather3A_635 = tpu.dynamic_gather %select_n3A_41[%gather3A_634] in [0] : vector<16xf32>, vector<16xi32> -> vector<16xf32>
      %get3A_636 = arith.constant 32 : i32
      %get3A_637 = arith.index_cast %get3A_636 : i32 to index
      %get3A_638 = arith.constant 0 : index
      %get3A_639 = tpu.vector_load %arg6[%get3A_637, %get3A_638] {strides = array<i32>} : memref<100x32xf32, #tpu.memory_space<vmem>>, vector<1x16xf32>,
      %get3A_640 = vector.shape_cast %get3A_639 : vector<1x16xf32> to vector<16xf32>
      %get3A_641 = arith.constant 32 : i32
      %get3A_642 = arith.index_cast %get3A_641 : i32 to index
      %get3A_643 = arith.constant 16 : index
      %get3A_644 = tpu.vector_load %arg6[%get3A_642, %get3A_643] {strides = array<i32>} : memref<100x32xf32, #tpu.memory_space<vmem>>, vector<1x16xf32>,
      %get3A_645 = vector.shape_cast %get3A_644 : vector<1x16xf32> to vector<16xf32>
      %mul3A_646 = arith.mulf %get3A_640, %gather3A_635 : vector<16xf32>
      %add3A_647 = arith.addf %add3A_629, %mul3A_646 : vector<16xf32>
      %mul3A_648 = arith.mulf %get3A_645, %gather3A_635 : vector<16xf32>
      %add3A_649 = arith.addf %add3A_631, %mul3A_648 : vector<16xf32>
      %broadcast_in_dim3A_650 = arith.constant 1 : i32
      %broadcast_in_dim3A_651 = vector.broadcast %broadcast_in_dim3A_650 : i32 to vector<16x1xi32>
      %gather3A_652 = vector.shape_cast %broadcast_in_dim3A_651 : vector<16x1xi32> to vector<16xi32>
      %gather3A_653 = tpu.dynamic_gather %select_n3A_41[%gather3A_652] in [0] : vector<16xf32>, vector<16xi32> -> vector<16xf32>
      %get3A_654 = arith.constant 33 : i32
      %get3A_655 = arith.index_cast %get3A_654 : i32 to index
      %get3A_656 = arith.constant 0 : index
      %get3A_657 = tpu.vector_load %arg6[%get3A_655, %get3A_656] {strides = array<i32>} : memref<100x32xf32, #tpu.memory_space<vmem>>, vector<1x16xf32>,
      %get3A_658 = vector.shape_cast %get3A_657 : vector<1x16xf32> to vector<16xf32>
      %get3A_659 = arith.constant 33 : i32
      %get3A_660 = arith.index_cast %get3A_659 : i32 to index
      %get3A_661 = arith.constant 16 : index
      %get3A_662 = tpu.vector_load %arg6[%get3A_660, %get3A_661] {strides = array<i32>} : memref<100x32xf32, #tpu.memory_space<vmem>>, vector<1x16xf32>,
      %get3A_663 = vector.shape_cast %get3A_662 : vector<1x16xf32> to vector<16xf32>
      %mul3A_664 = arith.mulf %get3A_658, %gather3A_653 : vector<16xf32>
      %add3A_665 = arith.addf %add3A_647, %mul3A_664 : vector<16xf32>
      %mul3A_666 = arith.mulf %get3A_663, %gather3A_653 : vector<16xf32>
      %add3A_667 = arith.addf %add3A_649, %mul3A_666 : vector<16xf32>
      %broadcast_in_dim3A_668 = arith.constant 2 : i32
      %broadcast_in_dim3A_669 = vector.broadcast %broadcast_in_dim3A_668 : i32 to vector<16x1xi32>
      %gather3A_670 = vector.shape_cast %broadcast_in_dim3A_669 : vector<16x1xi32> to vector<16xi32>
      %gather3A_671 = tpu.dynamic_gather %select_n3A_41[%gather3A_670] in [0] : vector<16xf32>, vector<16xi32> -> vector<16xf32>
      %get3A_672 = arith.constant 34 : i32
      %get3A_673 = arith.index_cast %get3A_672 : i32 to index
      %get3A_674 = arith.constant 0 : index
      %get3A_675 = tpu.vector_load %arg6[%get3A_673, %get3A_674] {strides = array<i32>} : memref<100x32xf32, #tpu.memory_space<vmem>>, vector<1x16xf32>,
      %get3A_676 = vector.shape_cast %get3A_675 : vector<1x16xf32> to vector<16xf32>
      %get3A_677 = arith.constant 34 : i32
      %get3A_678 = arith.index_cast %get3A_677 : i32 to index
      %get3A_679 = arith.constant 16 : index
      %get3A_680 = tpu.vector_load %arg6[%get3A_678, %get3A_679] {strides = array<i32>} : memref<100x32xf32, #tpu.memory_space<vmem>>, vector<1x16xf32>,
      %get3A_681 = vector.shape_cast %get3A_680 : vector<1x16xf32> to vector<16xf32>
      %mul3A_682 = arith.mulf %get3A_676, %gather3A_671 : vector<16xf32>
      %add3A_683 = arith.addf %add3A_665, %mul3A_682 : vector<16xf32>
      %mul3A_684 = arith.mulf %get3A_681, %gather3A_671 : vector<16xf32>
      %add3A_685 = arith.addf %add3A_667, %mul3A_684 : vector<16xf32>
      %broadcast_in_dim3A_686 = arith.constant 3 : i32
      %broadcast_in_dim3A_687 = vector.broadcast %broadcast_in_dim3A_686 : i32 to vector<16x1xi32>
      %gather3A_688 = vector.shape_cast %broadcast_in_dim3A_687 : vector<16x1xi32> to vector<16xi32>
      %gather3A_689 = tpu.dynamic_gather %select_n3A_41[%gather3A_688] in [0] : vector<16xf32>, vector<16xi32> -> vector<16xf32>
      %get3A_690 = arith.constant 35 : i32
      %get3A_691 = arith.index_cast %get3A_690 : i32 to index
      %get3A_692 = arith.constant 0 : index
      %get3A_693 = tpu.vector_load %arg6[%get3A_691, %get3A_692] {strides = array<i32>} : memref<100x32xf32, #tpu.memory_space<vmem>>, vector<1x16xf32>,
      %get3A_694 = vector.shape_cast %get3A_693 : vector<1x16xf32> to vector<16xf32>
      %get3A_695 = arith.constant 35 : i32
      %get3A_696 = arith.index_cast %get3A_695 : i32 to index
      %get3A_697 = arith.constant 16 : index
      %get3A_698 = tpu.vector_load %arg6[%get3A_696, %get3A_697] {strides = array<i32>} : memref<100x32xf32, #tpu.memory_space<vmem>>, vector<1x16xf32>,
      %get3A_699 = vector.shape_cast %get3A_698 : vector<1x16xf32> to vector<16xf32>
      %mul3A_700 = arith.mulf %get3A_694, %gather3A_689 : vector<16xf32>
      %add3A_701 = arith.addf %add3A_683, %mul3A_700 : vector<16xf32>
      %mul3A_702 = arith.mulf %get3A_699, %gather3A_689 : vector<16xf32>
      %add3A_703 = arith.addf %add3A_685, %mul3A_702 : vector<16xf32>
      %broadcast_in_dim3A_704 = arith.constant 4 : i32
      %broadcast_in_dim3A_705 = vector.broadcast %broadcast_in_dim3A_704 : i32 to vector<16x1xi32>
      %gather3A_706 = vector.shape_cast %broadcast_in_dim3A_705 : vector<16x1xi32> to vector<16xi32>
      %gather3A_707 = tpu.dynamic_gather %select_n3A_41[%gather3A_706] in [0] : vector<16xf32>, vector<16xi32> -> vector<16xf32>
      %get3A_708 = arith.constant 36 : i32
      %get3A_709 = arith.index_cast %get3A_708 : i32 to index
      %get3A_710 = arith.constant 0 : index
      %get3A_711 = tpu.vector_load %arg6[%get3A_709, %get3A_710] {strides = array<i32>} : memref<100x32xf32, #tpu.memory_space<vmem>>, vector<1x16xf32>,
      %get3A_712 = vector.shape_cast %get3A_711 : vector<1x16xf32> to vector<16xf32>
      %get3A_713 = arith.constant 36 : i32
      %get3A_714 = arith.index_cast %get3A_713 : i32 to index
      %get3A_715 = arith.constant 16 : index
      %get3A_716 = tpu.vector_load %arg6[%get3A_714, %get3A_715] {strides = array<i32>} : memref<100x32xf32, #tpu.memory_space<vmem>>, vector<1x16xf32>,
      %get3A_717 = vector.shape_cast %get3A_716 : vector<1x16xf32> to vector<16xf32>
      %mul3A_718 = arith.mulf %get3A_712, %gather3A_707 : vector<16xf32>
      %add3A_719 = arith.addf %add3A_701, %mul3A_718 : vector<16xf32>
      %mul3A_720 = arith.mulf %get3A_717, %gather3A_707 : vector<16xf32>
      %add3A_721 = arith.addf %add3A_703, %mul3A_720 : vector<16xf32>
      %broadcast_in_dim3A_722 = arith.constant 5 : i32
      %broadcast_in_dim3A_723 = vector.broadcast %broadcast_in_dim3A_722 : i32 to vector<16x1xi32>
      %gather3A_724 = vector.shape_cast %broadcast_in_dim3A_723 : vector<16x1xi32> to vector<16xi32>
      %gather3A_725 = tpu.dynamic_gather %select_n3A_41[%gather3A_724] in [0] : vector<16xf32>, vector<16xi32> -> vector<16xf32>
      %get3A_726 = arith.constant 37 : i32
      %get3A_727 = arith.index_cast %get3A_726 : i32 to index
      %get3A_728 = arith.constant 0 : index
      %get3A_729 = tpu.vector_load %arg6[%get3A_727, %get3A_728] {strides = array<i32>} : memref<100x32xf32, #tpu.memory_space<vmem>>, vector<1x16xf32>,
      %get3A_730 = vector.shape_cast %get3A_729 : vector<1x16xf32> to vector<16xf32>
      %get3A_731 = arith.constant 37 : i32
      %get3A_732 = arith.index_cast %get3A_731 : i32 to index
      %get3A_733 = arith.constant 16 : index
      %get3A_734 = tpu.vector_load %arg6[%get3A_732, %get3A_733] {strides = array<i32>} : memref<100x32xf32, #tpu.memory_space<vmem>>, vector<1x16xf32>,
      %get3A_735 = vector.shape_cast %get3A_734 : vector<1x16xf32> to vector<16xf32>
      %mul3A_736 = arith.mulf %get3A_730, %gather3A_725 : vector<16xf32>
      %add3A_737 = arith.addf %add3A_719, %mul3A_736 : vector<16xf32>
      %mul3A_738 = arith.mulf %get3A_735, %gather3A_725 : vector<16xf32>
      %add3A_739 = arith.addf %add3A_721, %mul3A_738 : vector<16xf32>
      %broadcast_in_dim3A_740 = arith.constant 6 : i32
      %broadcast_in_dim3A_741 = vector.broadcast %broadcast_in_dim3A_740 : i32 to vector<16x1xi32>
      %gather3A_742 = vector.shape_cast %broadcast_in_dim3A_741 : vector<16x1xi32> to vector<16xi32>
      %gather3A_743 = tpu.dynamic_gather %select_n3A_41[%gather3A_742] in [0] : vector<16xf32>, vector<16xi32> -> vector<16xf32>
      %get3A_744 = arith.constant 38 : i32
      %get3A_745 = arith.index_cast %get3A_744 : i32 to index
      %get3A_746 = arith.constant 0 : index
      %get3A_747 = tpu.vector_load %arg6[%get3A_745, %get3A_746] {strides = array<i32>} : memref<100x32xf32, #tpu.memory_space<vmem>>, vector<1x16xf32>,
      %get3A_748 = vector.shape_cast %get3A_747 : vector<1x16xf32> to vector<16xf32>
      %get3A_749 = arith.constant 38 : i32
      %get3A_750 = arith.index_cast %get3A_749 : i32 to index
      %get3A_751 = arith.constant 16 : index
      %get3A_752 = tpu.vector_load %arg6[%get3A_750, %get3A_751] {strides = array<i32>} : memref<100x32xf32, #tpu.memory_space<vmem>>, vector<1x16xf32>,
      %get3A_753 = vector.shape_cast %get3A_752 : vector<1x16xf32> to vector<16xf32>
      %mul3A_754 = arith.mulf %get3A_748, %gather3A_743 : vector<16xf32>
      %add3A_755 = arith.addf %add3A_737, %mul3A_754 : vector<16xf32>
      %mul3A_756 = arith.mulf %get3A_753, %gather3A_743 : vector<16xf32>
      %add3A_757 = arith.addf %add3A_739, %mul3A_756 : vector<16xf32>
      %broadcast_in_dim3A_758 = arith.constant 7 : i32
      %broadcast_in_dim3A_759 = vector.broadcast %broadcast_in_dim3A_758 : i32 to vector<16x1xi32>
      %gather3A_760 = vector.shape_cast %broadcast_in_dim3A_759 : vector<16x1xi32> to vector<16xi32>
      %gather3A_761 = tpu.dynamic_gather %select_n3A_41[%gather3A_760] in [0] : vector<16xf32>, vector<16xi32> -> vector<16xf32>
      %get3A_762 = arith.constant 39 : i32
      %get3A_763 = arith.index_cast %get3A_762 : i32 to index
      %get3A_764 = arith.constant 0 : index
      %get3A_765 = tpu.vector_load %arg6[%get3A_763, %get3A_764] {strides = array<i32>} : memref<100x32xf32, #tpu.memory_space<vmem>>, vector<1x16xf32>,
      %get3A_766 = vector.shape_cast %get3A_765 : vector<1x16xf32> to vector<16xf32>
      %get3A_767 = arith.constant 39 : i32
      %get3A_768 = arith.index_cast %get3A_767 : i32 to index
      %get3A_769 = arith.constant 16 : index
      %get3A_770 = tpu.vector_load %arg6[%get3A_768, %get3A_769] {strides = array<i32>} : memref<100x32xf32, #tpu.memory_space<vmem>>, vector<1x16xf32>,
      %get3A_771 = vector.shape_cast %get3A_770 : vector<1x16xf32> to vector<16xf32>
      %mul3A_772 = arith.mulf %get3A_766, %gather3A_761 : vector<16xf32>
      %add3A_773 = arith.addf %add3A_755, %mul3A_772 : vector<16xf32>
      %mul3A_774 = arith.mulf %get3A_771, %gather3A_761 : vector<16xf32>
      %add3A_775 = arith.addf %add3A_757, %mul3A_774 : vector<16xf32>
      %broadcast_in_dim3A_776 = arith.constant 8 : i32
      %broadcast_in_dim3A_777 = vector.broadcast %broadcast_in_dim3A_776 : i32 to vector<16x1xi32>
      %gather3A_778 = vector.shape_cast %broadcast_in_dim3A_777 : vector<16x1xi32> to vector<16xi32>
      %gather3A_779 = tpu.dynamic_gather %select_n3A_41[%gather3A_778] in [0] : vector<16xf32>, vector<16xi32> -> vector<16xf32>
      %get3A_780 = arith.constant 40 : i32
      %get3A_781 = arith.index_cast %get3A_780 : i32 to index
      %get3A_782 = arith.constant 0 : index
      %get3A_783 = tpu.vector_load %arg6[%get3A_781, %get3A_782] {strides = array<i32>} : memref<100x32xf32, #tpu.memory_space<vmem>>, vector<1x16xf32>,
      %get3A_784 = vector.shape_cast %get3A_783 : vector<1x16xf32> to vector<16xf32>
      %get3A_785 = arith.constant 40 : i32
      %get3A_786 = arith.index_cast %get3A_785 : i32 to index
      %get3A_787 = arith.constant 16 : index
      %get3A_788 = tpu.vector_load %arg6[%get3A_786, %get3A_787] {strides = array<i32>} : memref<100x32xf32, #tpu.memory_space<vmem>>, vector<1x16xf32>,
      %get3A_789 = vector.shape_cast %get3A_788 : vector<1x16xf32> to vector<16xf32>
      %mul3A_790 = arith.mulf %get3A_784, %gather3A_779 : vector<16xf32>
      %add3A_791 = arith.addf %add3A_773, %mul3A_790 : vector<16xf32>
      %mul3A_792 = arith.mulf %get3A_789, %gather3A_779 : vector<16xf32>
      %add3A_793 = arith.addf %add3A_775, %mul3A_792 : vector<16xf32>
      %broadcast_in_dim3A_794 = arith.constant 9 : i32
      %broadcast_in_dim3A_795 = vector.broadcast %broadcast_in_dim3A_794 : i32 to vector<16x1xi32>
      %gather3A_796 = vector.shape_cast %broadcast_in_dim3A_795 : vector<16x1xi32> to vector<16xi32>
      %gather3A_797 = tpu.dynamic_gather %select_n3A_41[%gather3A_796] in [0] : vector<16xf32>, vector<16xi32> -> vector<16xf32>
      %get3A_798 = arith.constant 41 : i32
      %get3A_799 = arith.index_cast %get3A_798 : i32 to index
      %get3A_800 = arith.constant 0 : index
      %get3A_801 = tpu.vector_load %arg6[%get3A_799, %get3A_800] {strides = array<i32>} : memref<100x32xf32, #tpu.memory_space<vmem>>, vector<1x16xf32>,
      %get3A_802 = vector.shape_cast %get3A_801 : vector<1x16xf32> to vector<16xf32>
      %get3A_803 = arith.constant 41 : i32
      %get3A_804 = arith.index_cast %get3A_803 : i32 to index
      %get3A_805 = arith.constant 16 : index
      %get3A_806 = tpu.vector_load %arg6[%get3A_804, %get3A_805] {strides = array<i32>} : memref<100x32xf32, #tpu.memory_space<vmem>>, vector<1x16xf32>,
      %get3A_807 = vector.shape_cast %get3A_806 : vector<1x16xf32> to vector<16xf32>
      %mul3A_808 = arith.mulf %get3A_802, %gather3A_797 : vector<16xf32>
      %add3A_809 = arith.addf %add3A_791, %mul3A_808 : vector<16xf32>
      %mul3A_810 = arith.mulf %get3A_807, %gather3A_797 : vector<16xf32>
      %add3A_811 = arith.addf %add3A_793, %mul3A_810 : vector<16xf32>
      %broadcast_in_dim3A_812 = arith.constant 10 : i32
      %broadcast_in_dim3A_813 = vector.broadcast %broadcast_in_dim3A_812 : i32 to vector<16x1xi32>
      %gather3A_814 = vector.shape_cast %broadcast_in_dim3A_813 : vector<16x1xi32> to vector<16xi32>
      %gather3A_815 = tpu.dynamic_gather %select_n3A_41[%gather3A_814] in [0] : vector<16xf32>, vector<16xi32> -> vector<16xf32>
      %get3A_816 = arith.constant 42 : i32
      %get3A_817 = arith.index_cast %get3A_816 : i32 to index
      %get3A_818 = arith.constant 0 : index
      %get3A_819 = tpu.vector_load %arg6[%get3A_817, %get3A_818] {strides = array<i32>} : memref<100x32xf32, #tpu.memory_space<vmem>>, vector<1x16xf32>,
      %get3A_820 = vector.shape_cast %get3A_819 : vector<1x16xf32> to vector<16xf32>
      %get3A_821 = arith.constant 42 : i32
      %get3A_822 = arith.index_cast %get3A_821 : i32 to index
      %get3A_823 = arith.constant 16 : index
      %get3A_824 = tpu.vector_load %arg6[%get3A_822, %get3A_823] {strides = array<i32>} : memref<100x32xf32, #tpu.memory_space<vmem>>, vector<1x16xf32>,
      %get3A_825 = vector.shape_cast %get3A_824 : vector<1x16xf32> to vector<16xf32>
      %mul3A_826 = arith.mulf %get3A_820, %gather3A_815 : vector<16xf32>
      %add3A_827 = arith.addf %add3A_809, %mul3A_826 : vector<16xf32>
      %mul3A_828 = arith.mulf %get3A_825, %gather3A_815 : vector<16xf32>
      %add3A_829 = arith.addf %add3A_811, %mul3A_828 : vector<16xf32>
      %broadcast_in_dim3A_830 = arith.constant 11 : i32
      %broadcast_in_dim3A_831 = vector.broadcast %broadcast_in_dim3A_830 : i32 to vector<16x1xi32>
      %gather3A_832 = vector.shape_cast %broadcast_in_dim3A_831 : vector<16x1xi32> to vector<16xi32>
      %gather3A_833 = tpu.dynamic_gather %select_n3A_41[%gather3A_832] in [0] : vector<16xf32>, vector<16xi32> -> vector<16xf32>
      %get3A_834 = arith.constant 43 : i32
      %get3A_835 = arith.index_cast %get3A_834 : i32 to index
      %get3A_836 = arith.constant 0 : index
      %get3A_837 = tpu.vector_load %arg6[%get3A_835, %get3A_836] {strides = array<i32>} : memref<100x32xf32, #tpu.memory_space<vmem>>, vector<1x16xf32>,
      %get3A_838 = vector.shape_cast %get3A_837 : vector<1x16xf32> to vector<16xf32>
      %get3A_839 = arith.constant 43 : i32
      %get3A_840 = arith.index_cast %get3A_839 : i32 to index
      %get3A_841 = arith.constant 16 : index
      %get3A_842 = tpu.vector_load %arg6[%get3A_840, %get3A_841] {strides = array<i32>} : memref<100x32xf32, #tpu.memory_space<vmem>>, vector<1x16xf32>,
      %get3A_843 = vector.shape_cast %get3A_842 : vector<1x16xf32> to vector<16xf32>
      %mul3A_844 = arith.mulf %get3A_838, %gather3A_833 : vector<16xf32>
      %add3A_845 = arith.addf %add3A_827, %mul3A_844 : vector<16xf32>
      %mul3A_846 = arith.mulf %get3A_843, %gather3A_833 : vector<16xf32>
      %add3A_847 = arith.addf %add3A_829, %mul3A_846 : vector<16xf32>
      %broadcast_in_dim3A_848 = arith.constant 12 : i32
      %broadcast_in_dim3A_849 = vector.broadcast %broadcast_in_dim3A_848 : i32 to vector<16x1xi32>
      %gather3A_850 = vector.shape_cast %broadcast_in_dim3A_849 : vector<16x1xi32> to vector<16xi32>
      %gather3A_851 = tpu.dynamic_gather %select_n3A_41[%gather3A_850] in [0] : vector<16xf32>, vector<16xi32> -> vector<16xf32>
      %get3A_852 = arith.constant 44 : i32
      %get3A_853 = arith.index_cast %get3A_852 : i32 to index
      %get3A_854 = arith.constant 0 : index
      %get3A_855 = tpu.vector_load %arg6[%get3A_853, %get3A_854] {strides = array<i32>} : memref<100x32xf32, #tpu.memory_space<vmem>>, vector<1x16xf32>,
      %get3A_856 = vector.shape_cast %get3A_855 : vector<1x16xf32> to vector<16xf32>
      %get3A_857 = arith.constant 44 : i32
      %get3A_858 = arith.index_cast %get3A_857 : i32 to index
      %get3A_859 = arith.constant 16 : index
      %get3A_860 = tpu.vector_load %arg6[%get3A_858, %get3A_859] {strides = array<i32>} : memref<100x32xf32, #tpu.memory_space<vmem>>, vector<1x16xf32>,
      %get3A_861 = vector.shape_cast %get3A_860 : vector<1x16xf32> to vector<16xf32>
      %mul3A_862 = arith.mulf %get3A_856, %gather3A_851 : vector<16xf32>
      %add3A_863 = arith.addf %add3A_845, %mul3A_862 : vector<16xf32>
      %mul3A_864 = arith.mulf %get3A_861, %gather3A_851 : vector<16xf32>
      %add3A_865 = arith.addf %add3A_847, %mul3A_864 : vector<16xf32>
      %broadcast_in_dim3A_866 = arith.constant 13 : i32
      %broadcast_in_dim3A_867 = vector.broadcast %broadcast_in_dim3A_866 : i32 to vector<16x1xi32>
      %gather3A_868 = vector.shape_cast %broadcast_in_dim3A_867 : vector<16x1xi32> to vector<16xi32>
      %gather3A_869 = tpu.dynamic_gather %select_n3A_41[%gather3A_868] in [0] : vector<16xf32>, vector<16xi32> -> vector<16xf32>
      %get3A_870 = arith.constant 45 : i32
      %get3A_871 = arith.index_cast %get3A_870 : i32 to index
      %get3A_872 = arith.constant 0 : index
      %get3A_873 = tpu.vector_load %arg6[%get3A_871, %get3A_872] {strides = array<i32>} : memref<100x32xf32, #tpu.memory_space<vmem>>, vector<1x16xf32>,
      %get3A_874 = vector.shape_cast %get3A_873 : vector<1x16xf32> to vector<16xf32>
      %get3A_875 = arith.constant 45 : i32
      %get3A_876 = arith.index_cast %get3A_875 : i32 to index
      %get3A_877 = arith.constant 16 : index
      %get3A_878 = tpu.vector_load %arg6[%get3A_876, %get3A_877] {strides = array<i32>} : memref<100x32xf32, #tpu.memory_space<vmem>>, vector<1x16xf32>,
      %get3A_879 = vector.shape_cast %get3A_878 : vector<1x16xf32> to vector<16xf32>
      %mul3A_880 = arith.mulf %get3A_874, %gather3A_869 : vector<16xf32>
      %add3A_881 = arith.addf %add3A_863, %mul3A_880 : vector<16xf32>
      %mul3A_882 = arith.mulf %get3A_879, %gather3A_869 : vector<16xf32>
      %add3A_883 = arith.addf %add3A_865, %mul3A_882 : vector<16xf32>
      %broadcast_in_dim3A_884 = arith.constant 14 : i32
      %broadcast_in_dim3A_885 = vector.broadcast %broadcast_in_dim3A_884 : i32 to vector<16x1xi32>
      %gather3A_886 = vector.shape_cast %broadcast_in_dim3A_885 : vector<16x1xi32> to vector<16xi32>
      %gather3A_887 = tpu.dynamic_gather %select_n3A_41[%gather3A_886] in [0] : vector<16xf32>, vector<16xi32> -> vector<16xf32>
      %get3A_888 = arith.constant 46 : i32
      %get3A_889 = arith.index_cast %get3A_888 : i32 to index
      %get3A_890 = arith.constant 0 : index
      %get3A_891 = tpu.vector_load %arg6[%get3A_889, %get3A_890] {strides = array<i32>} : memref<100x32xf32, #tpu.memory_space<vmem>>, vector<1x16xf32>,
      %get3A_892 = vector.shape_cast %get3A_891 : vector<1x16xf32> to vector<16xf32>
      %get3A_893 = arith.constant 46 : i32
      %get3A_894 = arith.index_cast %get3A_893 : i32 to index
      %get3A_895 = arith.constant 16 : index
      %get3A_896 = tpu.vector_load %arg6[%get3A_894, %get3A_895] {strides = array<i32>} : memref<100x32xf32, #tpu.memory_space<vmem>>, vector<1x16xf32>,
      %get3A_897 = vector.shape_cast %get3A_896 : vector<1x16xf32> to vector<16xf32>
      %mul3A_898 = arith.mulf %get3A_892, %gather3A_887 : vector<16xf32>
      %add3A_899 = arith.addf %add3A_881, %mul3A_898 : vector<16xf32>
      %mul3A_900 = arith.mulf %get3A_897, %gather3A_887 : vector<16xf32>
      %add3A_901 = arith.addf %add3A_883, %mul3A_900 : vector<16xf32>
      %broadcast_in_dim3A_902 = arith.constant 15 : i32
      %broadcast_in_dim3A_903 = vector.broadcast %broadcast_in_dim3A_902 : i32 to vector<16x1xi32>
      %gather3A_904 = vector.shape_cast %broadcast_in_dim3A_903 : vector<16x1xi32> to vector<16xi32>
      %gather3A_905 = tpu.dynamic_gather %select_n3A_41[%gather3A_904] in [0] : vector<16xf32>, vector<16xi32> -> vector<16xf32>
      %get3A_906 = arith.constant 47 : i32
      %get3A_907 = arith.index_cast %get3A_906 : i32 to index
      %get3A_908 = arith.constant 0 : index
      %get3A_909 = tpu.vector_load %arg6[%get3A_907, %get3A_908] {strides = array<i32>} : memref<100x32xf32, #tpu.memory_space<vmem>>, vector<1x16xf32>,
      %get3A_910 = vector.shape_cast %get3A_909 : vector<1x16xf32> to vector<16xf32>
      %get3A_911 = arith.constant 47 : i32
      %get3A_912 = arith.index_cast %get3A_911 : i32 to index
      %get3A_913 = arith.constant 16 : index
      %get3A_914 = tpu.vector_load %arg6[%get3A_912, %get3A_913] {strides = array<i32>} : memref<100x32xf32, #tpu.memory_space<vmem>>, vector<1x16xf32>,
      %get3A_915 = vector.shape_cast %get3A_914 : vector<1x16xf32> to vector<16xf32>
      %mul3A_916 = arith.mulf %get3A_910, %gather3A_905 : vector<16xf32>
      %add3A_917 = arith.addf %add3A_899, %mul3A_916 : vector<16xf32>
      %mul3A_918 = arith.mulf %get3A_915, %gather3A_905 : vector<16xf32>
      %add3A_919 = arith.addf %add3A_901, %mul3A_918 : vector<16xf32>
      %broadcast_in_dim3A_920 = arith.constant 14 : i32
      %broadcast_in_dim3A_921 = vector.broadcast %broadcast_in_dim3A_920 : i32 to vector<16x1xi32>
      %gather3A_922 = vector.shape_cast %broadcast_in_dim3A_921 : vector<16x1xi32> to vector<16xi32>
      %gather3A_923 = tpu.dynamic_gather %select_n3A_52[%gather3A_922] in [0] : vector<16xf32>, vector<16xi32> -> vector<16xf32>
      %get3A_924 = arith.constant 48 : i32
      %get3A_925 = arith.index_cast %get3A_924 : i32 to index
      %get3A_926 = arith.constant 0 : index
      %get3A_927 = tpu.vector_load %arg6[%get3A_925, %get3A_926] {strides = array<i32>} : memref<100x32xf32, #tpu.memory_space<vmem>>, vector<1x16xf32>,
      %get3A_928 = vector.shape_cast %get3A_927 : vector<1x16xf32> to vector<16xf32>
      %get3A_929 = arith.constant 48 : i32
      %get3A_930 = arith.index_cast %get3A_929 : i32 to index
      %get3A_931 = arith.constant 16 : index
      %get3A_932 = tpu.vector_load %arg6[%get3A_930, %get3A_931] {strides = array<i32>} : memref<100x32xf32, #tpu.memory_space<vmem>>, vector<1x16xf32>,
      %get3A_933 = vector.shape_cast %get3A_932 : vector<1x16xf32> to vector<16xf32>
      %mul3A_934 = arith.mulf %get3A_928, %gather3A_923 : vector<16xf32>
      %add3A_935 = arith.addf %add3A_917, %mul3A_934 : vector<16xf32>
      %mul3A_936 = arith.mulf %get3A_933, %gather3A_923 : vector<16xf32>
      %add3A_937 = arith.addf %add3A_919, %mul3A_936 : vector<16xf32>
      %broadcast_in_dim3A_938 = arith.constant 15 : i32
      %broadcast_in_dim3A_939 = vector.broadcast %broadcast_in_dim3A_938 : i32 to vector<16x1xi32>
      %gather3A_940 = vector.shape_cast %broadcast_in_dim3A_939 : vector<16x1xi32> to vector<16xi32>
      %gather3A_941 = tpu.dynamic_gather %select_n3A_52[%gather3A_940] in [0] : vector<16xf32>, vector<16xi32> -> vector<16xf32>
      %get3A_942 = arith.constant 49 : i32
      %get3A_943 = arith.index_cast %get3A_942 : i32 to index
      %get3A_944 = arith.constant 0 : index
      %get3A_945 = tpu.vector_load %arg6[%get3A_943, %get3A_944] {strides = array<i32>} : memref<100x32xf32, #tpu.memory_space<vmem>>, vector<1x16xf32>,
      %get3A_946 = vector.shape_cast %get3A_945 : vector<1x16xf32> to vector<16xf32>
      %get3A_947 = arith.constant 49 : i32
      %get3A_948 = arith.index_cast %get3A_947 : i32 to index
      %get3A_949 = arith.constant 16 : index
      %get3A_950 = tpu.vector_load %arg6[%get3A_948, %get3A_949] {strides = array<i32>} : memref<100x32xf32, #tpu.memory_space<vmem>>, vector<1x16xf32>,
      %get3A_951 = vector.shape_cast %get3A_950 : vector<1x16xf32> to vector<16xf32>
      %mul3A_952 = arith.mulf %get3A_946, %gather3A_941 : vector<16xf32>
      %add3A_953 = arith.addf %add3A_935, %mul3A_952 : vector<16xf32>
      %mul3A_954 = arith.mulf %get3A_951, %gather3A_941 : vector<16xf32>
      %add3A_955 = arith.addf %add3A_937, %mul3A_954 : vector<16xf32>
      %swap3A = arith.constant 0 : i32
      %swap3A_956 = arith.index_cast %swap3A : i32 to index
      %swap3A_957 = arith.constant 0 : index
      %swap3A_958 = tpu.vector_load %arg7[%swap3A_956, %swap3A_957] {strides = array<i32>} : memref<2x32xf32, #tpu.memory_space<vmem>>, vector<1x16xf32>,
      %swap3A_959 = vector.shape_cast %swap3A_958 : vector<1x16xf32> to vector<16xf32>
      %swap3A_960 = vector.shape_cast %add3A_953 : vector<16xf32> to vector<1x16xf32>
      tpu.vector_store %arg7[%swap3A_956, %swap3A_957], %swap3A_960 {strides = array<i32>} : memref<2x32xf32, #tpu.memory_space<vmem>>, vector<1x16xf32>,
      %swap3A_961 = arith.constant 0 : i32
      %swap3A_962 = arith.index_cast %swap3A_961 : i32 to index
      %swap3A_963 = arith.constant 16 : index
      %swap3A_964 = tpu.vector_load %arg7[%swap3A_962, %swap3A_963] {strides = array<i32>} : memref<2x32xf32, #tpu.memory_space<vmem>>, vector<1x16xf32>,
      %swap3A_965 = vector.shape_cast %swap3A_964 : vector<1x16xf32> to vector<16xf32>
      %swap3A_966 = vector.shape_cast %add3A_955 : vector<16xf32> to vector<1x16xf32>
      tpu.vector_store %arg7[%swap3A_962, %swap3A_963], %swap3A_966 {strides = array<i32>} : memref<2x32xf32, #tpu.memory_space<vmem>>, vector<1x16xf32>,
      %get3A_967 = arith.constant 50 : index
      %get3A_968 = tpu.vector_load %arg5[%get3A_967] {strides = array<i32>} : memref<100xi32, #tpu.memory_space<vmem>>, vector<16xi32>,
      %get3A_969 = vector.shape_cast %get3A_968 : vector<16xi32> to vector<16xi32>
      %ne3A_970 = arith.constant 0 : i32
      %ne3A_971 = vector.broadcast %ne3A_970 : i32 to vector<16xi32>
      %ne3A_972 = arith.cmpi ne, %get3A_969, %ne3A_971 : vector<16xi32>
      %jit3A_973 = arith.constant 1.000000e+00 : f32
      %jit3A_974 = arith.constant 0.000000e+00 : f32
      %broadcast_in_dim3A_975 = vector.broadcast %jit3A_973 : f32 to vector<16xf32>
      %broadcast_in_dim3A_976 = vector.broadcast %jit3A_974 : f32 to vector<16xf32>
      %select_n3A_977 = arith.select %ne3A_972, %broadcast_in_dim3A_975, %broadcast_in_dim3A_976 : vector<16xi1>, vector<16xf32>
      %get3A_978 = arith.constant 66 : index
      %get3A_979 = tpu.vector_load %arg5[%get3A_978] {strides = array<i32>} : memref<100xi32, #tpu.memory_space<vmem>>, vector<16xi32>,
      %get3A_980 = vector.shape_cast %get3A_979 : vector<16xi32> to vector<16xi32>
      %ne3A_981 = arith.constant 0 : i32
      %ne3A_982 = vector.broadcast %ne3A_981 : i32 to vector<16xi32>
      %ne3A_983 = arith.cmpi ne, %get3A_980, %ne3A_982 : vector<16xi32>
      %jit3A_984 = arith.constant 1.000000e+00 : f32
      %jit3A_985 = arith.constant 0.000000e+00 : f32
      %broadcast_in_dim3A_986 = vector.broadcast %jit3A_984 : f32 to vector<16xf32>
      %broadcast_in_dim3A_987 = vector.broadcast %jit3A_985 : f32 to vector<16xf32>
      %select_n3A_988 = arith.select %ne3A_983, %broadcast_in_dim3A_986, %broadcast_in_dim3A_987 : vector<16xi1>, vector<16xf32>
      %get3A_989 = arith.constant 82 : index
      %get3A_990 = tpu.vector_load %arg5[%get3A_989] {strides = array<i32>} : memref<100xi32, #tpu.memory_space<vmem>>, vector<16xi32>,
      %get3A_991 = vector.shape_cast %get3A_990 : vector<16xi32> to vector<16xi32>
      %ne3A_992 = arith.constant 0 : i32
      %ne3A_993 = vector.broadcast %ne3A_992 : i32 to vector<16xi32>
      %ne3A_994 = arith.cmpi ne, %get3A_991, %ne3A_993 : vector<16xi32>
      %jit3A_995 = arith.constant 1.000000e+00 : f32
      %jit3A_996 = arith.constant 0.000000e+00 : f32
      %broadcast_in_dim3A_997 = vector.broadcast %jit3A_995 : f32 to vector<16xf32>
      %broadcast_in_dim3A_998 = vector.broadcast %jit3A_996 : f32 to vector<16xf32>
      %select_n3A_999 = arith.select %ne3A_994, %broadcast_in_dim3A_997, %broadcast_in_dim3A_998 : vector<16xi1>, vector<16xf32>
      %get3A_1000 = arith.constant 84 : index
      %get3A_1001 = tpu.vector_load %arg5[%get3A_1000] {strides = array<i32>} : memref<100xi32, #tpu.memory_space<vmem>>, vector<16xi32>,
      %get3A_1002 = vector.shape_cast %get3A_1001 : vector<16xi32> to vector<16xi32>
      %ne3A_1003 = arith.constant 0 : i32
      %ne3A_1004 = vector.broadcast %ne3A_1003 : i32 to vector<16xi32>
      %ne3A_1005 = arith.cmpi ne, %get3A_1002, %ne3A_1004 : vector<16xi32>
      %jit3A_1006 = arith.constant 1.000000e+00 : f32
      %jit3A_1007 = arith.constant 0.000000e+00 : f32
      %broadcast_in_dim3A_1008 = vector.broadcast %jit3A_1006 : f32 to vector<16xf32>
      %broadcast_in_dim3A_1009 = vector.broadcast %jit3A_1007 : f32 to vector<16xf32>
      %select_n3A_1010 = arith.select %ne3A_1005, %broadcast_in_dim3A_1008, %broadcast_in_dim3A_1009 : vector<16xi1>, vector<16xf32>
      %broadcast_in_dim3A_1011 = arith.constant 0.000000e+00 : f32
      %broadcast_in_dim3A_1012 = vector.broadcast %broadcast_in_dim3A_1011 : f32 to vector<16xf32>
      %broadcast_in_dim3A_1013 = arith.constant 0.000000e+00 : f32
      %broadcast_in_dim3A_1014 = vector.broadcast %broadcast_in_dim3A_1013 : f32 to vector<16xf32>
      %broadcast_in_dim3A_1015 = arith.constant 0 : i32
      %broadcast_in_dim3A_1016 = vector.broadcast %broadcast_in_dim3A_1015 : i32 to vector<16x1xi32>
      %gather3A_1017 = vector.shape_cast %broadcast_in_dim3A_1016 : vector<16x1xi32> to vector<16xi32>
      %gather3A_1018 = tpu.dynamic_gather %select_n3A_977[%gather3A_1017] in [0] : vector<16xf32>, vector<16xi32> -> vector<16xf32>
      %get3A_1019 = arith.constant 50 : i32
      %get3A_1020 = arith.index_cast %get3A_1019 : i32 to index
      %get3A_1021 = arith.constant 0 : index
      %get3A_1022 = tpu.vector_load %arg6[%get3A_1020, %get3A_1021] {strides = array<i32>} : memref<100x32xf32, #tpu.memory_space<vmem>>, vector<1x16xf32>,
      %get3A_1023 = vector.shape_cast %get3A_1022 : vector<1x16xf32> to vector<16xf32>
      %get3A_1024 = arith.constant 50 : i32
      %get3A_1025 = arith.index_cast %get3A_1024 : i32 to index
      %get3A_1026 = arith.constant 16 : index
      %get3A_1027 = tpu.vector_load %arg6[%get3A_1025, %get3A_1026] {strides = array<i32>} : memref<100x32xf32, #tpu.memory_space<vmem>>, vector<1x16xf32>,
      %get3A_1028 = vector.shape_cast %get3A_1027 : vector<1x16xf32> to vector<16xf32>
      %mul3A_1029 = arith.mulf %get3A_1023, %gather3A_1018 : vector<16xf32>
      %add3A_1030 = arith.addf %broadcast_in_dim3A_1012, %mul3A_1029 : vector<16xf32>
      %mul3A_1031 = arith.mulf %get3A_1028, %gather3A_1018 : vector<16xf32>
      %add3A_1032 = arith.addf %broadcast_in_dim3A_1014, %mul3A_1031 : vector<16xf32>
      %broadcast_in_dim3A_1033 = arith.constant 1 : i32
      %broadcast_in_dim3A_1034 = vector.broadcast %broadcast_in_dim3A_1033 : i32 to vector<16x1xi32>
      %gather3A_1035 = vector.shape_cast %broadcast_in_dim3A_1034 : vector<16x1xi32> to vector<16xi32>
      %gather3A_1036 = tpu.dynamic_gather %select_n3A_977[%gather3A_1035] in [0] : vector<16xf32>, vector<16xi32> -> vector<16xf32>
      %get3A_1037 = arith.constant 51 : i32
      %get3A_1038 = arith.index_cast %get3A_1037 : i32 to index
      %get3A_1039 = arith.constant 0 : index
      %get3A_1040 = tpu.vector_load %arg6[%get3A_1038, %get3A_1039] {strides = array<i32>} : memref<100x32xf32, #tpu.memory_space<vmem>>, vector<1x16xf32>,
      %get3A_1041 = vector.shape_cast %get3A_1040 : vector<1x16xf32> to vector<16xf32>
      %get3A_1042 = arith.constant 51 : i32
      %get3A_1043 = arith.index_cast %get3A_1042 : i32 to index
      %get3A_1044 = arith.constant 16 : index
      %get3A_1045 = tpu.vector_load %arg6[%get3A_1043, %get3A_1044] {strides = array<i32>} : memref<100x32xf32, #tpu.memory_space<vmem>>, vector<1x16xf32>,
      %get3A_1046 = vector.shape_cast %get3A_1045 : vector<1x16xf32> to vector<16xf32>
      %mul3A_1047 = arith.mulf %get3A_1041, %gather3A_1036 : vector<16xf32>
      %add3A_1048 = arith.addf %add3A_1030, %mul3A_1047 : vector<16xf32>
      %mul3A_1049 = arith.mulf %get3A_1046, %gather3A_1036 : vector<16xf32>
      %add3A_1050 = arith.addf %add3A_1032, %mul3A_1049 : vector<16xf32>
      %broadcast_in_dim3A_1051 = arith.constant 2 : i32
      %broadcast_in_dim3A_1052 = vector.broadcast %broadcast_in_dim3A_1051 : i32 to vector<16x1xi32>
      %gather3A_1053 = vector.shape_cast %broadcast_in_dim3A_1052 : vector<16x1xi32> to vector<16xi32>
      %gather3A_1054 = tpu.dynamic_gather %select_n3A_977[%gather3A_1053] in [0] : vector<16xf32>, vector<16xi32> -> vector<16xf32>
      %get3A_1055 = arith.constant 52 : i32
      %get3A_1056 = arith.index_cast %get3A_1055 : i32 to index
      %get3A_1057 = arith.constant 0 : index
      %get3A_1058 = tpu.vector_load %arg6[%get3A_1056, %get3A_1057] {strides = array<i32>} : memref<100x32xf32, #tpu.memory_space<vmem>>, vector<1x16xf32>,
      %get3A_1059 = vector.shape_cast %get3A_1058 : vector<1x16xf32> to vector<16xf32>
      %get3A_1060 = arith.constant 52 : i32
      %get3A_1061 = arith.index_cast %get3A_1060 : i32 to index
      %get3A_1062 = arith.constant 16 : index
      %get3A_1063 = tpu.vector_load %arg6[%get3A_1061, %get3A_1062] {strides = array<i32>} : memref<100x32xf32, #tpu.memory_space<vmem>>, vector<1x16xf32>,
      %get3A_1064 = vector.shape_cast %get3A_1063 : vector<1x16xf32> to vector<16xf32>
      %mul3A_1065 = arith.mulf %get3A_1059, %gather3A_1054 : vector<16xf32>
      %add3A_1066 = arith.addf %add3A_1048, %mul3A_1065 : vector<16xf32>
      %mul3A_1067 = arith.mulf %get3A_1064, %gather3A_1054 : vector<16xf32>
      %add3A_1068 = arith.addf %add3A_1050, %mul3A_1067 : vector<16xf32>
      %broadcast_in_dim3A_1069 = arith.constant 3 : i32
      %broadcast_in_dim3A_1070 = vector.broadcast %broadcast_in_dim3A_1069 : i32 to vector<16x1xi32>
      %gather3A_1071 = vector.shape_cast %broadcast_in_dim3A_1070 : vector<16x1xi32> to vector<16xi32>
      %gather3A_1072 = tpu.dynamic_gather %select_n3A_977[%gather3A_1071] in [0] : vector<16xf32>, vector<16xi32> -> vector<16xf32>
      %get3A_1073 = arith.constant 53 : i32
      %get3A_1074 = arith.index_cast %get3A_1073 : i32 to index
      %get3A_1075 = arith.constant 0 : index
      %get3A_1076 = tpu.vector_load %arg6[%get3A_1074, %get3A_1075] {strides = array<i32>} : memref<100x32xf32, #tpu.memory_space<vmem>>, vector<1x16xf32>,
      %get3A_1077 = vector.shape_cast %get3A_1076 : vector<1x16xf32> to vector<16xf32>
      %get3A_1078 = arith.constant 53 : i32
      %get3A_1079 = arith.index_cast %get3A_1078 : i32 to index
      %get3A_1080 = arith.constant 16 : index
      %get3A_1081 = tpu.vector_load %arg6[%get3A_1079, %get3A_1080] {strides = array<i32>} : memref<100x32xf32, #tpu.memory_space<vmem>>, vector<1x16xf32>,
      %get3A_1082 = vector.shape_cast %get3A_1081 : vector<1x16xf32> to vector<16xf32>
      %mul3A_1083 = arith.mulf %get3A_1077, %gather3A_1072 : vector<16xf32>
      %add3A_1084 = arith.addf %add3A_1066, %mul3A_1083 : vector<16xf32>
      %mul3A_1085 = arith.mulf %get3A_1082, %gather3A_1072 : vector<16xf32>
      %add3A_1086 = arith.addf %add3A_1068, %mul3A_1085 : vector<16xf32>
      %broadcast_in_dim3A_1087 = arith.constant 4 : i32
      %broadcast_in_dim3A_1088 = vector.broadcast %broadcast_in_dim3A_1087 : i32 to vector<16x1xi32>
      %gather3A_1089 = vector.shape_cast %broadcast_in_dim3A_1088 : vector<16x1xi32> to vector<16xi32>
      %gather3A_1090 = tpu.dynamic_gather %select_n3A_977[%gather3A_1089] in [0] : vector<16xf32>, vector<16xi32> -> vector<16xf32>
      %get3A_1091 = arith.constant 54 : i32
      %get3A_1092 = arith.index_cast %get3A_1091 : i32 to index
      %get3A_1093 = arith.constant 0 : index
      %get3A_1094 = tpu.vector_load %arg6[%get3A_1092, %get3A_1093] {strides = array<i32>} : memref<100x32xf32, #tpu.memory_space<vmem>>, vector<1x16xf32>,
      %get3A_1095 = vector.shape_cast %get3A_1094 : vector<1x16xf32> to vector<16xf32>
      %get3A_1096 = arith.constant 54 : i32
      %get3A_1097 = arith.index_cast %get3A_1096 : i32 to index
      %get3A_1098 = arith.constant 16 : index
      %get3A_1099 = tpu.vector_load %arg6[%get3A_1097, %get3A_1098] {strides = array<i32>} : memref<100x32xf32, #tpu.memory_space<vmem>>, vector<1x16xf32>,
      %get3A_1100 = vector.shape_cast %get3A_1099 : vector<1x16xf32> to vector<16xf32>
      %mul3A_1101 = arith.mulf %get3A_1095, %gather3A_1090 : vector<16xf32>
      %add3A_1102 = arith.addf %add3A_1084, %mul3A_1101 : vector<16xf32>
      %mul3A_1103 = arith.mulf %get3A_1100, %gather3A_1090 : vector<16xf32>
      %add3A_1104 = arith.addf %add3A_1086, %mul3A_1103 : vector<16xf32>
      %broadcast_in_dim3A_1105 = arith.constant 5 : i32
      %broadcast_in_dim3A_1106 = vector.broadcast %broadcast_in_dim3A_1105 : i32 to vector<16x1xi32>
      %gather3A_1107 = vector.shape_cast %broadcast_in_dim3A_1106 : vector<16x1xi32> to vector<16xi32>
      %gather3A_1108 = tpu.dynamic_gather %select_n3A_977[%gather3A_1107] in [0] : vector<16xf32>, vector<16xi32> -> vector<16xf32>
      %get3A_1109 = arith.constant 55 : i32
      %get3A_1110 = arith.index_cast %get3A_1109 : i32 to index
      %get3A_1111 = arith.constant 0 : index
      %get3A_1112 = tpu.vector_load %arg6[%get3A_1110, %get3A_1111] {strides = array<i32>} : memref<100x32xf32, #tpu.memory_space<vmem>>, vector<1x16xf32>,
      %get3A_1113 = vector.shape_cast %get3A_1112 : vector<1x16xf32> to vector<16xf32>
      %get3A_1114 = arith.constant 55 : i32
      %get3A_1115 = arith.index_cast %get3A_1114 : i32 to index
      %get3A_1116 = arith.constant 16 : index
      %get3A_1117 = tpu.vector_load %arg6[%get3A_1115, %get3A_1116] {strides = array<i32>} : memref<100x32xf32, #tpu.memory_space<vmem>>, vector<1x16xf32>,
      %get3A_1118 = vector.shape_cast %get3A_1117 : vector<1x16xf32> to vector<16xf32>
      %mul3A_1119 = arith.mulf %get3A_1113, %gather3A_1108 : vector<16xf32>
      %add3A_1120 = arith.addf %add3A_1102, %mul3A_1119 : vector<16xf32>
      %mul3A_1121 = arith.mulf %get3A_1118, %gather3A_1108 : vector<16xf32>
      %add3A_1122 = arith.addf %add3A_1104, %mul3A_1121 : vector<16xf32>
      %broadcast_in_dim3A_1123 = arith.constant 6 : i32
      %broadcast_in_dim3A_1124 = vector.broadcast %broadcast_in_dim3A_1123 : i32 to vector<16x1xi32>
      %gather3A_1125 = vector.shape_cast %broadcast_in_dim3A_1124 : vector<16x1xi32> to vector<16xi32>
      %gather3A_1126 = tpu.dynamic_gather %select_n3A_977[%gather3A_1125] in [0] : vector<16xf32>, vector<16xi32> -> vector<16xf32>
      %get3A_1127 = arith.constant 56 : i32
      %get3A_1128 = arith.index_cast %get3A_1127 : i32 to index
      %get3A_1129 = arith.constant 0 : index
      %get3A_1130 = tpu.vector_load %arg6[%get3A_1128, %get3A_1129] {strides = array<i32>} : memref<100x32xf32, #tpu.memory_space<vmem>>, vector<1x16xf32>,
      %get3A_1131 = vector.shape_cast %get3A_1130 : vector<1x16xf32> to vector<16xf32>
      %get3A_1132 = arith.constant 56 : i32
      %get3A_1133 = arith.index_cast %get3A_1132 : i32 to index
      %get3A_1134 = arith.constant 16 : index
      %get3A_1135 = tpu.vector_load %arg6[%get3A_1133, %get3A_1134] {strides = array<i32>} : memref<100x32xf32, #tpu.memory_space<vmem>>, vector<1x16xf32>,
      %get3A_1136 = vector.shape_cast %get3A_1135 : vector<1x16xf32> to vector<16xf32>
      %mul3A_1137 = arith.mulf %get3A_1131, %gather3A_1126 : vector<16xf32>
      %add3A_1138 = arith.addf %add3A_1120, %mul3A_1137 : vector<16xf32>
      %mul3A_1139 = arith.mulf %get3A_1136, %gather3A_1126 : vector<16xf32>
      %add3A_1140 = arith.addf %add3A_1122, %mul3A_1139 : vector<16xf32>
      %broadcast_in_dim3A_1141 = arith.constant 7 : i32
      %broadcast_in_dim3A_1142 = vector.broadcast %broadcast_in_dim3A_1141 : i32 to vector<16x1xi32>
      %gather3A_1143 = vector.shape_cast %broadcast_in_dim3A_1142 : vector<16x1xi32> to vector<16xi32>
      %gather3A_1144 = tpu.dynamic_gather %select_n3A_977[%gather3A_1143] in [0] : vector<16xf32>, vector<16xi32> -> vector<16xf32>
      %get3A_1145 = arith.constant 57 : i32
      %get3A_1146 = arith.index_cast %get3A_1145 : i32 to index
      %get3A_1147 = arith.constant 0 : index
      %get3A_1148 = tpu.vector_load %arg6[%get3A_1146, %get3A_1147] {strides = array<i32>} : memref<100x32xf32, #tpu.memory_space<vmem>>, vector<1x16xf32>,
      %get3A_1149 = vector.shape_cast %get3A_1148 : vector<1x16xf32> to vector<16xf32>
      %get3A_1150 = arith.constant 57 : i32
      %get3A_1151 = arith.index_cast %get3A_1150 : i32 to index
      %get3A_1152 = arith.constant 16 : index
      %get3A_1153 = tpu.vector_load %arg6[%get3A_1151, %get3A_1152] {strides = array<i32>} : memref<100x32xf32, #tpu.memory_space<vmem>>, vector<1x16xf32>,
      %get3A_1154 = vector.shape_cast %get3A_1153 : vector<1x16xf32> to vector<16xf32>
      %mul3A_1155 = arith.mulf %get3A_1149, %gather3A_1144 : vector<16xf32>
      %add3A_1156 = arith.addf %add3A_1138, %mul3A_1155 : vector<16xf32>
      %mul3A_1157 = arith.mulf %get3A_1154, %gather3A_1144 : vector<16xf32>
      %add3A_1158 = arith.addf %add3A_1140, %mul3A_1157 : vector<16xf32>
      %broadcast_in_dim3A_1159 = arith.constant 8 : i32
      %broadcast_in_dim3A_1160 = vector.broadcast %broadcast_in_dim3A_1159 : i32 to vector<16x1xi32>
      %gather3A_1161 = vector.shape_cast %broadcast_in_dim3A_1160 : vector<16x1xi32> to vector<16xi32>
      %gather3A_1162 = tpu.dynamic_gather %select_n3A_977[%gather3A_1161] in [0] : vector<16xf32>, vector<16xi32> -> vector<16xf32>
      %get3A_1163 = arith.constant 58 : i32
      %get3A_1164 = arith.index_cast %get3A_1163 : i32 to index
      %get3A_1165 = arith.constant 0 : index
      %get3A_1166 = tpu.vector_load %arg6[%get3A_1164, %get3A_1165] {strides = array<i32>} : memref<100x32xf32, #tpu.memory_space<vmem>>, vector<1x16xf32>,
      %get3A_1167 = vector.shape_cast %get3A_1166 : vector<1x16xf32> to vector<16xf32>
      %get3A_1168 = arith.constant 58 : i32
      %get3A_1169 = arith.index_cast %get3A_1168 : i32 to index
      %get3A_1170 = arith.constant 16 : index
      %get3A_1171 = tpu.vector_load %arg6[%get3A_1169, %get3A_1170] {strides = array<i32>} : memref<100x32xf32, #tpu.memory_space<vmem>>, vector<1x16xf32>,
      %get3A_1172 = vector.shape_cast %get3A_1171 : vector<1x16xf32> to vector<16xf32>
      %mul3A_1173 = arith.mulf %get3A_1167, %gather3A_1162 : vector<16xf32>
      %add3A_1174 = arith.addf %add3A_1156, %mul3A_1173 : vector<16xf32>
      %mul3A_1175 = arith.mulf %get3A_1172, %gather3A_1162 : vector<16xf32>
      %add3A_1176 = arith.addf %add3A_1158, %mul3A_1175 : vector<16xf32>
      %broadcast_in_dim3A_1177 = arith.constant 9 : i32
      %broadcast_in_dim3A_1178 = vector.broadcast %broadcast_in_dim3A_1177 : i32 to vector<16x1xi32>
      %gather3A_1179 = vector.shape_cast %broadcast_in_dim3A_1178 : vector<16x1xi32> to vector<16xi32>
      %gather3A_1180 = tpu.dynamic_gather %select_n3A_977[%gather3A_1179] in [0] : vector<16xf32>, vector<16xi32> -> vector<16xf32>
      %get3A_1181 = arith.constant 59 : i32
      %get3A_1182 = arith.index_cast %get3A_1181 : i32 to index
      %get3A_1183 = arith.constant 0 : index
      %get3A_1184 = tpu.vector_load %arg6[%get3A_1182, %get3A_1183] {strides = array<i32>} : memref<100x32xf32, #tpu.memory_space<vmem>>, vector<1x16xf32>,
      %get3A_1185 = vector.shape_cast %get3A_1184 : vector<1x16xf32> to vector<16xf32>
      %get3A_1186 = arith.constant 59 : i32
      %get3A_1187 = arith.index_cast %get3A_1186 : i32 to index
      %get3A_1188 = arith.constant 16 : index
      %get3A_1189 = tpu.vector_load %arg6[%get3A_1187, %get3A_1188] {strides = array<i32>} : memref<100x32xf32, #tpu.memory_space<vmem>>, vector<1x16xf32>,
      %get3A_1190 = vector.shape_cast %get3A_1189 : vector<1x16xf32> to vector<16xf32>
      %mul3A_1191 = arith.mulf %get3A_1185, %gather3A_1180 : vector<16xf32>
      %add3A_1192 = arith.addf %add3A_1174, %mul3A_1191 : vector<16xf32>
      %mul3A_1193 = arith.mulf %get3A_1190, %gather3A_1180 : vector<16xf32>
      %add3A_1194 = arith.addf %add3A_1176, %mul3A_1193 : vector<16xf32>
      %broadcast_in_dim3A_1195 = arith.constant 10 : i32
      %broadcast_in_dim3A_1196 = vector.broadcast %broadcast_in_dim3A_1195 : i32 to vector<16x1xi32>
      %gather3A_1197 = vector.shape_cast %broadcast_in_dim3A_1196 : vector<16x1xi32> to vector<16xi32>
      %gather3A_1198 = tpu.dynamic_gather %select_n3A_977[%gather3A_1197] in [0] : vector<16xf32>, vector<16xi32> -> vector<16xf32>
      %get3A_1199 = arith.constant 60 : i32
      %get3A_1200 = arith.index_cast %get3A_1199 : i32 to index
      %get3A_1201 = arith.constant 0 : index
      %get3A_1202 = tpu.vector_load %arg6[%get3A_1200, %get3A_1201] {strides = array<i32>} : memref<100x32xf32, #tpu.memory_space<vmem>>, vector<1x16xf32>,
      %get3A_1203 = vector.shape_cast %get3A_1202 : vector<1x16xf32> to vector<16xf32>
      %get3A_1204 = arith.constant 60 : i32
      %get3A_1205 = arith.index_cast %get3A_1204 : i32 to index
      %get3A_1206 = arith.constant 16 : index
      %get3A_1207 = tpu.vector_load %arg6[%get3A_1205, %get3A_1206] {strides = array<i32>} : memref<100x32xf32, #tpu.memory_space<vmem>>, vector<1x16xf32>,
      %get3A_1208 = vector.shape_cast %get3A_1207 : vector<1x16xf32> to vector<16xf32>
      %mul3A_1209 = arith.mulf %get3A_1203, %gather3A_1198 : vector<16xf32>
      %add3A_1210 = arith.addf %add3A_1192, %mul3A_1209 : vector<16xf32>
      %mul3A_1211 = arith.mulf %get3A_1208, %gather3A_1198 : vector<16xf32>
      %add3A_1212 = arith.addf %add3A_1194, %mul3A_1211 : vector<16xf32>
      %broadcast_in_dim3A_1213 = arith.constant 11 : i32
      %broadcast_in_dim3A_1214 = vector.broadcast %broadcast_in_dim3A_1213 : i32 to vector<16x1xi32>
      %gather3A_1215 = vector.shape_cast %broadcast_in_dim3A_1214 : vector<16x1xi32> to vector<16xi32>
      %gather3A_1216 = tpu.dynamic_gather %select_n3A_977[%gather3A_1215] in [0] : vector<16xf32>, vector<16xi32> -> vector<16xf32>
      %get3A_1217 = arith.constant 61 : i32
      %get3A_1218 = arith.index_cast %get3A_1217 : i32 to index
      %get3A_1219 = arith.constant 0 : index
      %get3A_1220 = tpu.vector_load %arg6[%get3A_1218, %get3A_1219] {strides = array<i32>} : memref<100x32xf32, #tpu.memory_space<vmem>>, vector<1x16xf32>,
      %get3A_1221 = vector.shape_cast %get3A_1220 : vector<1x16xf32> to vector<16xf32>
      %get3A_1222 = arith.constant 61 : i32
      %get3A_1223 = arith.index_cast %get3A_1222 : i32 to index
      %get3A_1224 = arith.constant 16 : index
      %get3A_1225 = tpu.vector_load %arg6[%get3A_1223, %get3A_1224] {strides = array<i32>} : memref<100x32xf32, #tpu.memory_space<vmem>>, vector<1x16xf32>,
      %get3A_1226 = vector.shape_cast %get3A_1225 : vector<1x16xf32> to vector<16xf32>
      %mul3A_1227 = arith.mulf %get3A_1221, %gather3A_1216 : vector<16xf32>
      %add3A_1228 = arith.addf %add3A_1210, %mul3A_1227 : vector<16xf32>
      %mul3A_1229 = arith.mulf %get3A_1226, %gather3A_1216 : vector<16xf32>
      %add3A_1230 = arith.addf %add3A_1212, %mul3A_1229 : vector<16xf32>
      %broadcast_in_dim3A_1231 = arith.constant 12 : i32
      %broadcast_in_dim3A_1232 = vector.broadcast %broadcast_in_dim3A_1231 : i32 to vector<16x1xi32>
      %gather3A_1233 = vector.shape_cast %broadcast_in_dim3A_1232 : vector<16x1xi32> to vector<16xi32>
      %gather3A_1234 = tpu.dynamic_gather %select_n3A_977[%gather3A_1233] in [0] : vector<16xf32>, vector<16xi32> -> vector<16xf32>
      %get3A_1235 = arith.constant 62 : i32
      %get3A_1236 = arith.index_cast %get3A_1235 : i32 to index
      %get3A_1237 = arith.constant 0 : index
      %get3A_1238 = tpu.vector_load %arg6[%get3A_1236, %get3A_1237] {strides = array<i32>} : memref<100x32xf32, #tpu.memory_space<vmem>>, vector<1x16xf32>,
      %get3A_1239 = vector.shape_cast %get3A_1238 : vector<1x16xf32> to vector<16xf32>
      %get3A_1240 = arith.constant 62 : i32
      %get3A_1241 = arith.index_cast %get3A_1240 : i32 to index
      %get3A_1242 = arith.constant 16 : index
      %get3A_1243 = tpu.vector_load %arg6[%get3A_1241, %get3A_1242] {strides = array<i32>} : memref<100x32xf32, #tpu.memory_space<vmem>>, vector<1x16xf32>,
      %get3A_1244 = vector.shape_cast %get3A_1243 : vector<1x16xf32> to vector<16xf32>
      %mul3A_1245 = arith.mulf %get3A_1239, %gather3A_1234 : vector<16xf32>
      %add3A_1246 = arith.addf %add3A_1228, %mul3A_1245 : vector<16xf32>
      %mul3A_1247 = arith.mulf %get3A_1244, %gather3A_1234 : vector<16xf32>
      %add3A_1248 = arith.addf %add3A_1230, %mul3A_1247 : vector<16xf32>
      %broadcast_in_dim3A_1249 = arith.constant 13 : i32
      %broadcast_in_dim3A_1250 = vector.broadcast %broadcast_in_dim3A_1249 : i32 to vector<16x1xi32>
      %gather3A_1251 = vector.shape_cast %broadcast_in_dim3A_1250 : vector<16x1xi32> to vector<16xi32>
      %gather3A_1252 = tpu.dynamic_gather %select_n3A_977[%gather3A_1251] in [0] : vector<16xf32>, vector<16xi32> -> vector<16xf32>
      %get3A_1253 = arith.constant 63 : i32
      %get3A_1254 = arith.index_cast %get3A_1253 : i32 to index
      %get3A_1255 = arith.constant 0 : index
      %get3A_1256 = tpu.vector_load %arg6[%get3A_1254, %get3A_1255] {strides = array<i32>} : memref<100x32xf32, #tpu.memory_space<vmem>>, vector<1x16xf32>,
      %get3A_1257 = vector.shape_cast %get3A_1256 : vector<1x16xf32> to vector<16xf32>
      %get3A_1258 = arith.constant 63 : i32
      %get3A_1259 = arith.index_cast %get3A_1258 : i32 to index
      %get3A_1260 = arith.constant 16 : index
      %get3A_1261 = tpu.vector_load %arg6[%get3A_1259, %get3A_1260] {strides = array<i32>} : memref<100x32xf32, #tpu.memory_space<vmem>>, vector<1x16xf32>,
      %get3A_1262 = vector.shape_cast %get3A_1261 : vector<1x16xf32> to vector<16xf32>
      %mul3A_1263 = arith.mulf %get3A_1257, %gather3A_1252 : vector<16xf32>
      %add3A_1264 = arith.addf %add3A_1246, %mul3A_1263 : vector<16xf32>
      %mul3A_1265 = arith.mulf %get3A_1262, %gather3A_1252 : vector<16xf32>
      %add3A_1266 = arith.addf %add3A_1248, %mul3A_1265 : vector<16xf32>
      %broadcast_in_dim3A_1267 = arith.constant 14 : i32
      %broadcast_in_dim3A_1268 = vector.broadcast %broadcast_in_dim3A_1267 : i32 to vector<16x1xi32>
      %gather3A_1269 = vector.shape_cast %broadcast_in_dim3A_1268 : vector<16x1xi32> to vector<16xi32>
      %gather3A_1270 = tpu.dynamic_gather %select_n3A_977[%gather3A_1269] in [0] : vector<16xf32>, vector<16xi32> -> vector<16xf32>
      %get3A_1271 = arith.constant 64 : i32
      %get3A_1272 = arith.index_cast %get3A_1271 : i32 to index
      %get3A_1273 = arith.constant 0 : index
      %get3A_1274 = tpu.vector_load %arg6[%get3A_1272, %get3A_1273] {strides = array<i32>} : memref<100x32xf32, #tpu.memory_space<vmem>>, vector<1x16xf32>,
      %get3A_1275 = vector.shape_cast %get3A_1274 : vector<1x16xf32> to vector<16xf32>
      %get3A_1276 = arith.constant 64 : i32
      %get3A_1277 = arith.index_cast %get3A_1276 : i32 to index
      %get3A_1278 = arith.constant 16 : index
      %get3A_1279 = tpu.vector_load %arg6[%get3A_1277, %get3A_1278] {strides = array<i32>} : memref<100x32xf32, #tpu.memory_space<vmem>>, vector<1x16xf32>,
      %get3A_1280 = vector.shape_cast %get3A_1279 : vector<1x16xf32> to vector<16xf32>
      %mul3A_1281 = arith.mulf %get3A_1275, %gather3A_1270 : vector<16xf32>
      %add3A_1282 = arith.addf %add3A_1264, %mul3A_1281 : vector<16xf32>
      %mul3A_1283 = arith.mulf %get3A_1280, %gather3A_1270 : vector<16xf32>
      %add3A_1284 = arith.addf %add3A_1266, %mul3A_1283 : vector<16xf32>
      %broadcast_in_dim3A_1285 = arith.constant 15 : i32
      %broadcast_in_dim3A_1286 = vector.broadcast %broadcast_in_dim3A_1285 : i32 to vector<16x1xi32>
      %gather3A_1287 = vector.shape_cast %broadcast_in_dim3A_1286 : vector<16x1xi32> to vector<16xi32>
      %gather3A_1288 = tpu.dynamic_gather %select_n3A_977[%gather3A_1287] in [0] : vector<16xf32>, vector<16xi32> -> vector<16xf32>
      %get3A_1289 = arith.constant 65 : i32
      %get3A_1290 = arith.index_cast %get3A_1289 : i32 to index
      %get3A_1291 = arith.constant 0 : index
      %get3A_1292 = tpu.vector_load %arg6[%get3A_1290, %get3A_1291] {strides = array<i32>} : memref<100x32xf32, #tpu.memory_space<vmem>>, vector<1x16xf32>,
      %get3A_1293 = vector.shape_cast %get3A_1292 : vector<1x16xf32> to vector<16xf32>
      %get3A_1294 = arith.constant 65 : i32
      %get3A_1295 = arith.index_cast %get3A_1294 : i32 to index
      %get3A_1296 = arith.constant 16 : index
      %get3A_1297 = tpu.vector_load %arg6[%get3A_1295, %get3A_1296] {strides = array<i32>} : memref<100x32xf32, #tpu.memory_space<vmem>>, vector<1x16xf32>,
      %get3A_1298 = vector.shape_cast %get3A_1297 : vector<1x16xf32> to vector<16xf32>
      %mul3A_1299 = arith.mulf %get3A_1293, %gather3A_1288 : vector<16xf32>
      %add3A_1300 = arith.addf %add3A_1282, %mul3A_1299 : vector<16xf32>
      %mul3A_1301 = arith.mulf %get3A_1298, %gather3A_1288 : vector<16xf32>
      %add3A_1302 = arith.addf %add3A_1284, %mul3A_1301 : vector<16xf32>
      %broadcast_in_dim3A_1303 = arith.constant 0 : i32
      %broadcast_in_dim3A_1304 = vector.broadcast %broadcast_in_dim3A_1303 : i32 to vector<16x1xi32>
      %gather3A_1305 = vector.shape_cast %broadcast_in_dim3A_1304 : vector<16x1xi32> to vector<16xi32>
      %gather3A_1306 = tpu.dynamic_gather %select_n3A_988[%gather3A_1305] in [0] : vector<16xf32>, vector<16xi32> -> vector<16xf32>
      %get3A_1307 = arith.constant 66 : i32
      %get3A_1308 = arith.index_cast %get3A_1307 : i32 to index
      %get3A_1309 = arith.constant 0 : index
      %get3A_1310 = tpu.vector_load %arg6[%get3A_1308, %get3A_1309] {strides = array<i32>} : memref<100x32xf32, #tpu.memory_space<vmem>>, vector<1x16xf32>,
      %get3A_1311 = vector.shape_cast %get3A_1310 : vector<1x16xf32> to vector<16xf32>
      %get3A_1312 = arith.constant 66 : i32
      %get3A_1313 = arith.index_cast %get3A_1312 : i32 to index
      %get3A_1314 = arith.constant 16 : index
      %get3A_1315 = tpu.vector_load %arg6[%get3A_1313, %get3A_1314] {strides = array<i32>} : memref<100x32xf32, #tpu.memory_space<vmem>>, vector<1x16xf32>,
      %get3A_1316 = vector.shape_cast %get3A_1315 : vector<1x16xf32> to vector<16xf32>
      %mul3A_1317 = arith.mulf %get3A_1311, %gather3A_1306 : vector<16xf32>
      %add3A_1318 = arith.addf %add3A_1300, %mul3A_1317 : vector<16xf32>
      %mul3A_1319 = arith.mulf %get3A_1316, %gather3A_1306 : vector<16xf32>
      %add3A_1320 = arith.addf %add3A_1302, %mul3A_1319 : vector<16xf32>
      %broadcast_in_dim3A_1321 = arith.constant 1 : i32
      %broadcast_in_dim3A_1322 = vector.broadcast %broadcast_in_dim3A_1321 : i32 to vector<16x1xi32>
      %gather3A_1323 = vector.shape_cast %broadcast_in_dim3A_1322 : vector<16x1xi32> to vector<16xi32>
      %gather3A_1324 = tpu.dynamic_gather %select_n3A_988[%gather3A_1323] in [0] : vector<16xf32>, vector<16xi32> -> vector<16xf32>
      %get3A_1325 = arith.constant 67 : i32
      %get3A_1326 = arith.index_cast %get3A_1325 : i32 to index
      %get3A_1327 = arith.constant 0 : index
      %get3A_1328 = tpu.vector_load %arg6[%get3A_1326, %get3A_1327] {strides = array<i32>} : memref<100x32xf32, #tpu.memory_space<vmem>>, vector<1x16xf32>,
      %get3A_1329 = vector.shape_cast %get3A_1328 : vector<1x16xf32> to vector<16xf32>
      %get3A_1330 = arith.constant 67 : i32
      %get3A_1331 = arith.index_cast %get3A_1330 : i32 to index
      %get3A_1332 = arith.constant 16 : index
      %get3A_1333 = tpu.vector_load %arg6[%get3A_1331, %get3A_1332] {strides = array<i32>} : memref<100x32xf32, #tpu.memory_space<vmem>>, vector<1x16xf32>,
      %get3A_1334 = vector.shape_cast %get3A_1333 : vector<1x16xf32> to vector<16xf32>
      %mul3A_1335 = arith.mulf %get3A_1329, %gather3A_1324 : vector<16xf32>
      %add3A_1336 = arith.addf %add3A_1318, %mul3A_1335 : vector<16xf32>
      %mul3A_1337 = arith.mulf %get3A_1334, %gather3A_1324 : vector<16xf32>
      %add3A_1338 = arith.addf %add3A_1320, %mul3A_1337 : vector<16xf32>
      %broadcast_in_dim3A_1339 = arith.constant 2 : i32
      %broadcast_in_dim3A_1340 = vector.broadcast %broadcast_in_dim3A_1339 : i32 to vector<16x1xi32>
      %gather3A_1341 = vector.shape_cast %broadcast_in_dim3A_1340 : vector<16x1xi32> to vector<16xi32>
      %gather3A_1342 = tpu.dynamic_gather %select_n3A_988[%gather3A_1341] in [0] : vector<16xf32>, vector<16xi32> -> vector<16xf32>
      %get3A_1343 = arith.constant 68 : i32
      %get3A_1344 = arith.index_cast %get3A_1343 : i32 to index
      %get3A_1345 = arith.constant 0 : index
      %get3A_1346 = tpu.vector_load %arg6[%get3A_1344, %get3A_1345] {strides = array<i32>} : memref<100x32xf32, #tpu.memory_space<vmem>>, vector<1x16xf32>,
      %get3A_1347 = vector.shape_cast %get3A_1346 : vector<1x16xf32> to vector<16xf32>
      %get3A_1348 = arith.constant 68 : i32
      %get3A_1349 = arith.index_cast %get3A_1348 : i32 to index
      %get3A_1350 = arith.constant 16 : index
      %get3A_1351 = tpu.vector_load %arg6[%get3A_1349, %get3A_1350] {strides = array<i32>} : memref<100x32xf32, #tpu.memory_space<vmem>>, vector<1x16xf32>,
      %get3A_1352 = vector.shape_cast %get3A_1351 : vector<1x16xf32> to vector<16xf32>
      %mul3A_1353 = arith.mulf %get3A_1347, %gather3A_1342 : vector<16xf32>
      %add3A_1354 = arith.addf %add3A_1336, %mul3A_1353 : vector<16xf32>
      %mul3A_1355 = arith.mulf %get3A_1352, %gather3A_1342 : vector<16xf32>
      %add3A_1356 = arith.addf %add3A_1338, %mul3A_1355 : vector<16xf32>
      %broadcast_in_dim3A_1357 = arith.constant 3 : i32
      %broadcast_in_dim3A_1358 = vector.broadcast %broadcast_in_dim3A_1357 : i32 to vector<16x1xi32>
      %gather3A_1359 = vector.shape_cast %broadcast_in_dim3A_1358 : vector<16x1xi32> to vector<16xi32>
      %gather3A_1360 = tpu.dynamic_gather %select_n3A_988[%gather3A_1359] in [0] : vector<16xf32>, vector<16xi32> -> vector<16xf32>
      %get3A_1361 = arith.constant 69 : i32
      %get3A_1362 = arith.index_cast %get3A_1361 : i32 to index
      %get3A_1363 = arith.constant 0 : index
      %get3A_1364 = tpu.vector_load %arg6[%get3A_1362, %get3A_1363] {strides = array<i32>} : memref<100x32xf32, #tpu.memory_space<vmem>>, vector<1x16xf32>,
      %get3A_1365 = vector.shape_cast %get3A_1364 : vector<1x16xf32> to vector<16xf32>
      %get3A_1366 = arith.constant 69 : i32
      %get3A_1367 = arith.index_cast %get3A_1366 : i32 to index
      %get3A_1368 = arith.constant 16 : index
      %get3A_1369 = tpu.vector_load %arg6[%get3A_1367, %get3A_1368] {strides = array<i32>} : memref<100x32xf32, #tpu.memory_space<vmem>>, vector<1x16xf32>,
      %get3A_1370 = vector.shape_cast %get3A_1369 : vector<1x16xf32> to vector<16xf32>
      %mul3A_1371 = arith.mulf %get3A_1365, %gather3A_1360 : vector<16xf32>
      %add3A_1372 = arith.addf %add3A_1354, %mul3A_1371 : vector<16xf32>
      %mul3A_1373 = arith.mulf %get3A_1370, %gather3A_1360 : vector<16xf32>
      %add3A_1374 = arith.addf %add3A_1356, %mul3A_1373 : vector<16xf32>
      %broadcast_in_dim3A_1375 = arith.constant 4 : i32
      %broadcast_in_dim3A_1376 = vector.broadcast %broadcast_in_dim3A_1375 : i32 to vector<16x1xi32>
      %gather3A_1377 = vector.shape_cast %broadcast_in_dim3A_1376 : vector<16x1xi32> to vector<16xi32>
      %gather3A_1378 = tpu.dynamic_gather %select_n3A_988[%gather3A_1377] in [0] : vector<16xf32>, vector<16xi32> -> vector<16xf32>
      %get3A_1379 = arith.constant 70 : i32
      %get3A_1380 = arith.index_cast %get3A_1379 : i32 to index
      %get3A_1381 = arith.constant 0 : index
      %get3A_1382 = tpu.vector_load %arg6[%get3A_1380, %get3A_1381] {strides = array<i32>} : memref<100x32xf32, #tpu.memory_space<vmem>>, vector<1x16xf32>,
      %get3A_1383 = vector.shape_cast %get3A_1382 : vector<1x16xf32> to vector<16xf32>
      %get3A_1384 = arith.constant 70 : i32
      %get3A_1385 = arith.index_cast %get3A_1384 : i32 to index
      %get3A_1386 = arith.constant 16 : index
      %get3A_1387 = tpu.vector_load %arg6[%get3A_1385, %get3A_1386] {strides = array<i32>} : memref<100x32xf32, #tpu.memory_space<vmem>>, vector<1x16xf32>,
      %get3A_1388 = vector.shape_cast %get3A_1387 : vector<1x16xf32> to vector<16xf32>
      %mul3A_1389 = arith.mulf %get3A_1383, %gather3A_1378 : vector<16xf32>
      %add3A_1390 = arith.addf %add3A_1372, %mul3A_1389 : vector<16xf32>
      %mul3A_1391 = arith.mulf %get3A_1388, %gather3A_1378 : vector<16xf32>
      %add3A_1392 = arith.addf %add3A_1374, %mul3A_1391 : vector<16xf32>
      %broadcast_in_dim3A_1393 = arith.constant 5 : i32
      %broadcast_in_dim3A_1394 = vector.broadcast %broadcast_in_dim3A_1393 : i32 to vector<16x1xi32>
      %gather3A_1395 = vector.shape_cast %broadcast_in_dim3A_1394 : vector<16x1xi32> to vector<16xi32>
      %gather3A_1396 = tpu.dynamic_gather %select_n3A_988[%gather3A_1395] in [0] : vector<16xf32>, vector<16xi32> -> vector<16xf32>
      %get3A_1397 = arith.constant 71 : i32
      %get3A_1398 = arith.index_cast %get3A_1397 : i32 to index
      %get3A_1399 = arith.constant 0 : index
      %get3A_1400 = tpu.vector_load %arg6[%get3A_1398, %get3A_1399] {strides = array<i32>} : memref<100x32xf32, #tpu.memory_space<vmem>>, vector<1x16xf32>,
      %get3A_1401 = vector.shape_cast %get3A_1400 : vector<1x16xf32> to vector<16xf32>
      %get3A_1402 = arith.constant 71 : i32
      %get3A_1403 = arith.index_cast %get3A_1402 : i32 to index
      %get3A_1404 = arith.constant 16 : index
      %get3A_1405 = tpu.vector_load %arg6[%get3A_1403, %get3A_1404] {strides = array<i32>} : memref<100x32xf32, #tpu.memory_space<vmem>>, vector<1x16xf32>,
      %get3A_1406 = vector.shape_cast %get3A_1405 : vector<1x16xf32> to vector<16xf32>
      %mul3A_1407 = arith.mulf %get3A_1401, %gather3A_1396 : vector<16xf32>
      %add3A_1408 = arith.addf %add3A_1390, %mul3A_1407 : vector<16xf32>
      %mul3A_1409 = arith.mulf %get3A_1406, %gather3A_1396 : vector<16xf32>
      %add3A_1410 = arith.addf %add3A_1392, %mul3A_1409 : vector<16xf32>
      %broadcast_in_dim3A_1411 = arith.constant 6 : i32
      %broadcast_in_dim3A_1412 = vector.broadcast %broadcast_in_dim3A_1411 : i32 to vector<16x1xi32>
      %gather3A_1413 = vector.shape_cast %broadcast_in_dim3A_1412 : vector<16x1xi32> to vector<16xi32>
      %gather3A_1414 = tpu.dynamic_gather %select_n3A_988[%gather3A_1413] in [0] : vector<16xf32>, vector<16xi32> -> vector<16xf32>
      %get3A_1415 = arith.constant 72 : i32
      %get3A_1416 = arith.index_cast %get3A_1415 : i32 to index
      %get3A_1417 = arith.constant 0 : index
      %get3A_1418 = tpu.vector_load %arg6[%get3A_1416, %get3A_1417] {strides = array<i32>} : memref<100x32xf32, #tpu.memory_space<vmem>>, vector<1x16xf32>,
      %get3A_1419 = vector.shape_cast %get3A_1418 : vector<1x16xf32> to vector<16xf32>
      %get3A_1420 = arith.constant 72 : i32
      %get3A_1421 = arith.index_cast %get3A_1420 : i32 to index
      %get3A_1422 = arith.constant 16 : index
      %get3A_1423 = tpu.vector_load %arg6[%get3A_1421, %get3A_1422] {strides = array<i32>} : memref<100x32xf32, #tpu.memory_space<vmem>>, vector<1x16xf32>,
      %get3A_1424 = vector.shape_cast %get3A_1423 : vector<1x16xf32> to vector<16xf32>
      %mul3A_1425 = arith.mulf %get3A_1419, %gather3A_1414 : vector<16xf32>
      %add3A_1426 = arith.addf %add3A_1408, %mul3A_1425 : vector<16xf32>
      %mul3A_1427 = arith.mulf %get3A_1424, %gather3A_1414 : vector<16xf32>
      %add3A_1428 = arith.addf %add3A_1410, %mul3A_1427 : vector<16xf32>
      %broadcast_in_dim3A_1429 = arith.constant 7 : i32
      %broadcast_in_dim3A_1430 = vector.broadcast %broadcast_in_dim3A_1429 : i32 to vector<16x1xi32>
      %gather3A_1431 = vector.shape_cast %broadcast_in_dim3A_1430 : vector<16x1xi32> to vector<16xi32>
      %gather3A_1432 = tpu.dynamic_gather %select_n3A_988[%gather3A_1431] in [0] : vector<16xf32>, vector<16xi32> -> vector<16xf32>
      %get3A_1433 = arith.constant 73 : i32
      %get3A_1434 = arith.index_cast %get3A_1433 : i32 to index
      %get3A_1435 = arith.constant 0 : index
      %get3A_1436 = tpu.vector_load %arg6[%get3A_1434, %get3A_1435] {strides = array<i32>} : memref<100x32xf32, #tpu.memory_space<vmem>>, vector<1x16xf32>,
      %get3A_1437 = vector.shape_cast %get3A_1436 : vector<1x16xf32> to vector<16xf32>
      %get3A_1438 = arith.constant 73 : i32
      %get3A_1439 = arith.index_cast %get3A_1438 : i32 to index
      %get3A_1440 = arith.constant 16 : index
      %get3A_1441 = tpu.vector_load %arg6[%get3A_1439, %get3A_1440] {strides = array<i32>} : memref<100x32xf32, #tpu.memory_space<vmem>>, vector<1x16xf32>,
      %get3A_1442 = vector.shape_cast %get3A_1441 : vector<1x16xf32> to vector<16xf32>
      %mul3A_1443 = arith.mulf %get3A_1437, %gather3A_1432 : vector<16xf32>
      %add3A_1444 = arith.addf %add3A_1426, %mul3A_1443 : vector<16xf32>
      %mul3A_1445 = arith.mulf %get3A_1442, %gather3A_1432 : vector<16xf32>
      %add3A_1446 = arith.addf %add3A_1428, %mul3A_1445 : vector<16xf32>
      %broadcast_in_dim3A_1447 = arith.constant 8 : i32
      %broadcast_in_dim3A_1448 = vector.broadcast %broadcast_in_dim3A_1447 : i32 to vector<16x1xi32>
      %gather3A_1449 = vector.shape_cast %broadcast_in_dim3A_1448 : vector<16x1xi32> to vector<16xi32>
      %gather3A_1450 = tpu.dynamic_gather %select_n3A_988[%gather3A_1449] in [0] : vector<16xf32>, vector<16xi32> -> vector<16xf32>
      %get3A_1451 = arith.constant 74 : i32
      %get3A_1452 = arith.index_cast %get3A_1451 : i32 to index
      %get3A_1453 = arith.constant 0 : index
      %get3A_1454 = tpu.vector_load %arg6[%get3A_1452, %get3A_1453] {strides = array<i32>} : memref<100x32xf32, #tpu.memory_space<vmem>>, vector<1x16xf32>,
      %get3A_1455 = vector.shape_cast %get3A_1454 : vector<1x16xf32> to vector<16xf32>
      %get3A_1456 = arith.constant 74 : i32
      %get3A_1457 = arith.index_cast %get3A_1456 : i32 to index
      %get3A_1458 = arith.constant 16 : index
      %get3A_1459 = tpu.vector_load %arg6[%get3A_1457, %get3A_1458] {strides = array<i32>} : memref<100x32xf32, #tpu.memory_space<vmem>>, vector<1x16xf32>,
      %get3A_1460 = vector.shape_cast %get3A_1459 : vector<1x16xf32> to vector<16xf32>
      %mul3A_1461 = arith.mulf %get3A_1455, %gather3A_1450 : vector<16xf32>
      %add3A_1462 = arith.addf %add3A_1444, %mul3A_1461 : vector<16xf32>
      %mul3A_1463 = arith.mulf %get3A_1460, %gather3A_1450 : vector<16xf32>
      %add3A_1464 = arith.addf %add3A_1446, %mul3A_1463 : vector<16xf32>
      %broadcast_in_dim3A_1465 = arith.constant 9 : i32
      %broadcast_in_dim3A_1466 = vector.broadcast %broadcast_in_dim3A_1465 : i32 to vector<16x1xi32>
      %gather3A_1467 = vector.shape_cast %broadcast_in_dim3A_1466 : vector<16x1xi32> to vector<16xi32>
      %gather3A_1468 = tpu.dynamic_gather %select_n3A_988[%gather3A_1467] in [0] : vector<16xf32>, vector<16xi32> -> vector<16xf32>
      %get3A_1469 = arith.constant 75 : i32
      %get3A_1470 = arith.index_cast %get3A_1469 : i32 to index
      %get3A_1471 = arith.constant 0 : index
      %get3A_1472 = tpu.vector_load %arg6[%get3A_1470, %get3A_1471] {strides = array<i32>} : memref<100x32xf32, #tpu.memory_space<vmem>>, vector<1x16xf32>,
      %get3A_1473 = vector.shape_cast %get3A_1472 : vector<1x16xf32> to vector<16xf32>
      %get3A_1474 = arith.constant 75 : i32
      %get3A_1475 = arith.index_cast %get3A_1474 : i32 to index
      %get3A_1476 = arith.constant 16 : index
      %get3A_1477 = tpu.vector_load %arg6[%get3A_1475, %get3A_1476] {strides = array<i32>} : memref<100x32xf32, #tpu.memory_space<vmem>>, vector<1x16xf32>,
      %get3A_1478 = vector.shape_cast %get3A_1477 : vector<1x16xf32> to vector<16xf32>
      %mul3A_1479 = arith.mulf %get3A_1473, %gather3A_1468 : vector<16xf32>
      %add3A_1480 = arith.addf %add3A_1462, %mul3A_1479 : vector<16xf32>
      %mul3A_1481 = arith.mulf %get3A_1478, %gather3A_1468 : vector<16xf32>
      %add3A_1482 = arith.addf %add3A_1464, %mul3A_1481 : vector<16xf32>
      %broadcast_in_dim3A_1483 = arith.constant 10 : i32
      %broadcast_in_dim3A_1484 = vector.broadcast %broadcast_in_dim3A_1483 : i32 to vector<16x1xi32>
      %gather3A_1485 = vector.shape_cast %broadcast_in_dim3A_1484 : vector<16x1xi32> to vector<16xi32>
      %gather3A_1486 = tpu.dynamic_gather %select_n3A_988[%gather3A_1485] in [0] : vector<16xf32>, vector<16xi32> -> vector<16xf32>
      %get3A_1487 = arith.constant 76 : i32
      %get3A_1488 = arith.index_cast %get3A_1487 : i32 to index
      %get3A_1489 = arith.constant 0 : index
      %get3A_1490 = tpu.vector_load %arg6[%get3A_1488, %get3A_1489] {strides = array<i32>} : memref<100x32xf32, #tpu.memory_space<vmem>>, vector<1x16xf32>,
      %get3A_1491 = vector.shape_cast %get3A_1490 : vector<1x16xf32> to vector<16xf32>
      %get3A_1492 = arith.constant 76 : i32
      %get3A_1493 = arith.index_cast %get3A_1492 : i32 to index
      %get3A_1494 = arith.constant 16 : index
      %get3A_1495 = tpu.vector_load %arg6[%get3A_1493, %get3A_1494] {strides = array<i32>} : memref<100x32xf32, #tpu.memory_space<vmem>>, vector<1x16xf32>,
      %get3A_1496 = vector.shape_cast %get3A_1495 : vector<1x16xf32> to vector<16xf32>
      %mul3A_1497 = arith.mulf %get3A_1491, %gather3A_1486 : vector<16xf32>
      %add3A_1498 = arith.addf %add3A_1480, %mul3A_1497 : vector<16xf32>
      %mul3A_1499 = arith.mulf %get3A_1496, %gather3A_1486 : vector<16xf32>
      %add3A_1500 = arith.addf %add3A_1482, %mul3A_1499 : vector<16xf32>
      %broadcast_in_dim3A_1501 = arith.constant 11 : i32
      %broadcast_in_dim3A_1502 = vector.broadcast %broadcast_in_dim3A_1501 : i32 to vector<16x1xi32>
      %gather3A_1503 = vector.shape_cast %broadcast_in_dim3A_1502 : vector<16x1xi32> to vector<16xi32>
      %gather3A_1504 = tpu.dynamic_gather %select_n3A_988[%gather3A_1503] in [0] : vector<16xf32>, vector<16xi32> -> vector<16xf32>
      %get3A_1505 = arith.constant 77 : i32
      %get3A_1506 = arith.index_cast %get3A_1505 : i32 to index
      %get3A_1507 = arith.constant 0 : index
      %get3A_1508 = tpu.vector_load %arg6[%get3A_1506, %get3A_1507] {strides = array<i32>} : memref<100x32xf32, #tpu.memory_space<vmem>>, vector<1x16xf32>,
      %get3A_1509 = vector.shape_cast %get3A_1508 : vector<1x16xf32> to vector<16xf32>
      %get3A_1510 = arith.constant 77 : i32
      %get3A_1511 = arith.index_cast %get3A_1510 : i32 to index
      %get3A_1512 = arith.constant 16 : index
      %get3A_1513 = tpu.vector_load %arg6[%get3A_1511, %get3A_1512] {strides = array<i32>} : memref<100x32xf32, #tpu.memory_space<vmem>>, vector<1x16xf32>,
      %get3A_1514 = vector.shape_cast %get3A_1513 : vector<1x16xf32> to vector<16xf32>
      %mul3A_1515 = arith.mulf %get3A_1509, %gather3A_1504 : vector<16xf32>
      %add3A_1516 = arith.addf %add3A_1498, %mul3A_1515 : vector<16xf32>
      %mul3A_1517 = arith.mulf %get3A_1514, %gather3A_1504 : vector<16xf32>
      %add3A_1518 = arith.addf %add3A_1500, %mul3A_1517 : vector<16xf32>
      %broadcast_in_dim3A_1519 = arith.constant 12 : i32
      %broadcast_in_dim3A_1520 = vector.broadcast %broadcast_in_dim3A_1519 : i32 to vector<16x1xi32>
      %gather3A_1521 = vector.shape_cast %broadcast_in_dim3A_1520 : vector<16x1xi32> to vector<16xi32>
      %gather3A_1522 = tpu.dynamic_gather %select_n3A_988[%gather3A_1521] in [0] : vector<16xf32>, vector<16xi32> -> vector<16xf32>
      %get3A_1523 = arith.constant 78 : i32
      %get3A_1524 = arith.index_cast %get3A_1523 : i32 to index
      %get3A_1525 = arith.constant 0 : index
      %get3A_1526 = tpu.vector_load %arg6[%get3A_1524, %get3A_1525] {strides = array<i32>} : memref<100x32xf32, #tpu.memory_space<vmem>>, vector<1x16xf32>,
      %get3A_1527 = vector.shape_cast %get3A_1526 : vector<1x16xf32> to vector<16xf32>
      %get3A_1528 = arith.constant 78 : i32
      %get3A_1529 = arith.index_cast %get3A_1528 : i32 to index
      %get3A_1530 = arith.constant 16 : index
      %get3A_1531 = tpu.vector_load %arg6[%get3A_1529, %get3A_1530] {strides = array<i32>} : memref<100x32xf32, #tpu.memory_space<vmem>>, vector<1x16xf32>,
      %get3A_1532 = vector.shape_cast %get3A_1531 : vector<1x16xf32> to vector<16xf32>
      %mul3A_1533 = arith.mulf %get3A_1527, %gather3A_1522 : vector<16xf32>
      %add3A_1534 = arith.addf %add3A_1516, %mul3A_1533 : vector<16xf32>
      %mul3A_1535 = arith.mulf %get3A_1532, %gather3A_1522 : vector<16xf32>
      %add3A_1536 = arith.addf %add3A_1518, %mul3A_1535 : vector<16xf32>
      %broadcast_in_dim3A_1537 = arith.constant 13 : i32
      %broadcast_in_dim3A_1538 = vector.broadcast %broadcast_in_dim3A_1537 : i32 to vector<16x1xi32>
      %gather3A_1539 = vector.shape_cast %broadcast_in_dim3A_1538 : vector<16x1xi32> to vector<16xi32>
      %gather3A_1540 = tpu.dynamic_gather %select_n3A_988[%gather3A_1539] in [0] : vector<16xf32>, vector<16xi32> -> vector<16xf32>
      %get3A_1541 = arith.constant 79 : i32
      %get3A_1542 = arith.index_cast %get3A_1541 : i32 to index
      %get3A_1543 = arith.constant 0 : index
      %get3A_1544 = tpu.vector_load %arg6[%get3A_1542, %get3A_1543] {strides = array<i32>} : memref<100x32xf32, #tpu.memory_space<vmem>>, vector<1x16xf32>,
      %get3A_1545 = vector.shape_cast %get3A_1544 : vector<1x16xf32> to vector<16xf32>
      %get3A_1546 = arith.constant 79 : i32
      %get3A_1547 = arith.index_cast %get3A_1546 : i32 to index
      %get3A_1548 = arith.constant 16 : index
      %get3A_1549 = tpu.vector_load %arg6[%get3A_1547, %get3A_1548] {strides = array<i32>} : memref<100x32xf32, #tpu.memory_space<vmem>>, vector<1x16xf32>,
      %get3A_1550 = vector.shape_cast %get3A_1549 : vector<1x16xf32> to vector<16xf32>
      %mul3A_1551 = arith.mulf %get3A_1545, %gather3A_1540 : vector<16xf32>
      %add3A_1552 = arith.addf %add3A_1534, %mul3A_1551 : vector<16xf32>
      %mul3A_1553 = arith.mulf %get3A_1550, %gather3A_1540 : vector<16xf32>
      %add3A_1554 = arith.addf %add3A_1536, %mul3A_1553 : vector<16xf32>
      %broadcast_in_dim3A_1555 = arith.constant 14 : i32
      %broadcast_in_dim3A_1556 = vector.broadcast %broadcast_in_dim3A_1555 : i32 to vector<16x1xi32>
      %gather3A_1557 = vector.shape_cast %broadcast_in_dim3A_1556 : vector<16x1xi32> to vector<16xi32>
      %gather3A_1558 = tpu.dynamic_gather %select_n3A_988[%gather3A_1557] in [0] : vector<16xf32>, vector<16xi32> -> vector<16xf32>
      %get3A_1559 = arith.constant 80 : i32
      %get3A_1560 = arith.index_cast %get3A_1559 : i32 to index
      %get3A_1561 = arith.constant 0 : index
      %get3A_1562 = tpu.vector_load %arg6[%get3A_1560, %get3A_1561] {strides = array<i32>} : memref<100x32xf32, #tpu.memory_space<vmem>>, vector<1x16xf32>,
      %get3A_1563 = vector.shape_cast %get3A_1562 : vector<1x16xf32> to vector<16xf32>
      %get3A_1564 = arith.constant 80 : i32
      %get3A_1565 = arith.index_cast %get3A_1564 : i32 to index
      %get3A_1566 = arith.constant 16 : index
      %get3A_1567 = tpu.vector_load %arg6[%get3A_1565, %get3A_1566] {strides = array<i32>} : memref<100x32xf32, #tpu.memory_space<vmem>>, vector<1x16xf32>,
      %get3A_1568 = vector.shape_cast %get3A_1567 : vector<1x16xf32> to vector<16xf32>
      %mul3A_1569 = arith.mulf %get3A_1563, %gather3A_1558 : vector<16xf32>
      %add3A_1570 = arith.addf %add3A_1552, %mul3A_1569 : vector<16xf32>
      %mul3A_1571 = arith.mulf %get3A_1568, %gather3A_1558 : vector<16xf32>
      %add3A_1572 = arith.addf %add3A_1554, %mul3A_1571 : vector<16xf32>
      %broadcast_in_dim3A_1573 = arith.constant 15 : i32
      %broadcast_in_dim3A_1574 = vector.broadcast %broadcast_in_dim3A_1573 : i32 to vector<16x1xi32>
      %gather3A_1575 = vector.shape_cast %broadcast_in_dim3A_1574 : vector<16x1xi32> to vector<16xi32>
      %gather3A_1576 = tpu.dynamic_gather %select_n3A_988[%gather3A_1575] in [0] : vector<16xf32>, vector<16xi32> -> vector<16xf32>
      %get3A_1577 = arith.constant 81 : i32
      %get3A_1578 = arith.index_cast %get3A_1577 : i32 to index
      %get3A_1579 = arith.constant 0 : index
      %get3A_1580 = tpu.vector_load %arg6[%get3A_1578, %get3A_1579] {strides = array<i32>} : memref<100x32xf32, #tpu.memory_space<vmem>>, vector<1x16xf32>,
      %get3A_1581 = vector.shape_cast %get3A_1580 : vector<1x16xf32> to vector<16xf32>
      %get3A_1582 = arith.constant 81 : i32
      %get3A_1583 = arith.index_cast %get3A_1582 : i32 to index
      %get3A_1584 = arith.constant 16 : index
      %get3A_1585 = tpu.vector_load %arg6[%get3A_1583, %get3A_1584] {strides = array<i32>} : memref<100x32xf32, #tpu.memory_space<vmem>>, vector<1x16xf32>,
      %get3A_1586 = vector.shape_cast %get3A_1585 : vector<1x16xf32> to vector<16xf32>
      %mul3A_1587 = arith.mulf %get3A_1581, %gather3A_1576 : vector<16xf32>
      %add3A_1588 = arith.addf %add3A_1570, %mul3A_1587 : vector<16xf32>
      %mul3A_1589 = arith.mulf %get3A_1586, %gather3A_1576 : vector<16xf32>
      %add3A_1590 = arith.addf %add3A_1572, %mul3A_1589 : vector<16xf32>
      %broadcast_in_dim3A_1591 = arith.constant 0 : i32
      %broadcast_in_dim3A_1592 = vector.broadcast %broadcast_in_dim3A_1591 : i32 to vector<16x1xi32>
      %gather3A_1593 = vector.shape_cast %broadcast_in_dim3A_1592 : vector<16x1xi32> to vector<16xi32>
      %gather3A_1594 = tpu.dynamic_gather %select_n3A_999[%gather3A_1593] in [0] : vector<16xf32>, vector<16xi32> -> vector<16xf32>
      %get3A_1595 = arith.constant 82 : i32
      %get3A_1596 = arith.index_cast %get3A_1595 : i32 to index
      %get3A_1597 = arith.constant 0 : index
      %get3A_1598 = tpu.vector_load %arg6[%get3A_1596, %get3A_1597] {strides = array<i32>} : memref<100x32xf32, #tpu.memory_space<vmem>>, vector<1x16xf32>,
      %get3A_1599 = vector.shape_cast %get3A_1598 : vector<1x16xf32> to vector<16xf32>
      %get3A_1600 = arith.constant 82 : i32
      %get3A_1601 = arith.index_cast %get3A_1600 : i32 to index
      %get3A_1602 = arith.constant 16 : index
      %get3A_1603 = tpu.vector_load %arg6[%get3A_1601, %get3A_1602] {strides = array<i32>} : memref<100x32xf32, #tpu.memory_space<vmem>>, vector<1x16xf32>,
      %get3A_1604 = vector.shape_cast %get3A_1603 : vector<1x16xf32> to vector<16xf32>
      %mul3A_1605 = arith.mulf %get3A_1599, %gather3A_1594 : vector<16xf32>
      %add3A_1606 = arith.addf %add3A_1588, %mul3A_1605 : vector<16xf32>
      %mul3A_1607 = arith.mulf %get3A_1604, %gather3A_1594 : vector<16xf32>
      %add3A_1608 = arith.addf %add3A_1590, %mul3A_1607 : vector<16xf32>
      %broadcast_in_dim3A_1609 = arith.constant 1 : i32
      %broadcast_in_dim3A_1610 = vector.broadcast %broadcast_in_dim3A_1609 : i32 to vector<16x1xi32>
      %gather3A_1611 = vector.shape_cast %broadcast_in_dim3A_1610 : vector<16x1xi32> to vector<16xi32>
      %gather3A_1612 = tpu.dynamic_gather %select_n3A_999[%gather3A_1611] in [0] : vector<16xf32>, vector<16xi32> -> vector<16xf32>
      %get3A_1613 = arith.constant 83 : i32
      %get3A_1614 = arith.index_cast %get3A_1613 : i32 to index
      %get3A_1615 = arith.constant 0 : index
      %get3A_1616 = tpu.vector_load %arg6[%get3A_1614, %get3A_1615] {strides = array<i32>} : memref<100x32xf32, #tpu.memory_space<vmem>>, vector<1x16xf32>,
      %get3A_1617 = vector.shape_cast %get3A_1616 : vector<1x16xf32> to vector<16xf32>
      %get3A_1618 = arith.constant 83 : i32
      %get3A_1619 = arith.index_cast %get3A_1618 : i32 to index
      %get3A_1620 = arith.constant 16 : index
      %get3A_1621 = tpu.vector_load %arg6[%get3A_1619, %get3A_1620] {strides = array<i32>} : memref<100x32xf32, #tpu.memory_space<vmem>>, vector<1x16xf32>,
      %get3A_1622 = vector.shape_cast %get3A_1621 : vector<1x16xf32> to vector<16xf32>
      %mul3A_1623 = arith.mulf %get3A_1617, %gather3A_1612 : vector<16xf32>
      %add3A_1624 = arith.addf %add3A_1606, %mul3A_1623 : vector<16xf32>
      %mul3A_1625 = arith.mulf %get3A_1622, %gather3A_1612 : vector<16xf32>
      %add3A_1626 = arith.addf %add3A_1608, %mul3A_1625 : vector<16xf32>
      %broadcast_in_dim3A_1627 = arith.constant 2 : i32
      %broadcast_in_dim3A_1628 = vector.broadcast %broadcast_in_dim3A_1627 : i32 to vector<16x1xi32>
      %gather3A_1629 = vector.shape_cast %broadcast_in_dim3A_1628 : vector<16x1xi32> to vector<16xi32>
      %gather3A_1630 = tpu.dynamic_gather %select_n3A_999[%gather3A_1629] in [0] : vector<16xf32>, vector<16xi32> -> vector<16xf32>
      %get3A_1631 = arith.constant 84 : i32
      %get3A_1632 = arith.index_cast %get3A_1631 : i32 to index
      %get3A_1633 = arith.constant 0 : index
      %get3A_1634 = tpu.vector_load %arg6[%get3A_1632, %get3A_1633] {strides = array<i32>} : memref<100x32xf32, #tpu.memory_space<vmem>>, vector<1x16xf32>,
      %get3A_1635 = vector.shape_cast %get3A_1634 : vector<1x16xf32> to vector<16xf32>
      %get3A_1636 = arith.constant 84 : i32
      %get3A_1637 = arith.index_cast %get3A_1636 : i32 to index
      %get3A_1638 = arith.constant 16 : index
      %get3A_1639 = tpu.vector_load %arg6[%get3A_1637, %get3A_1638] {strides = array<i32>} : memref<100x32xf32, #tpu.memory_space<vmem>>, vector<1x16xf32>,
      %get3A_1640 = vector.shape_cast %get3A_1639 : vector<1x16xf32> to vector<16xf32>
      %mul3A_1641 = arith.mulf %get3A_1635, %gather3A_1630 : vector<16xf32>
      %add3A_1642 = arith.addf %add3A_1624, %mul3A_1641 : vector<16xf32>
      %mul3A_1643 = arith.mulf %get3A_1640, %gather3A_1630 : vector<16xf32>
      %add3A_1644 = arith.addf %add3A_1626, %mul3A_1643 : vector<16xf32>
      %broadcast_in_dim3A_1645 = arith.constant 3 : i32
      %broadcast_in_dim3A_1646 = vector.broadcast %broadcast_in_dim3A_1645 : i32 to vector<16x1xi32>
      %gather3A_1647 = vector.shape_cast %broadcast_in_dim3A_1646 : vector<16x1xi32> to vector<16xi32>
      %gather3A_1648 = tpu.dynamic_gather %select_n3A_999[%gather3A_1647] in [0] : vector<16xf32>, vector<16xi32> -> vector<16xf32>
      %get3A_1649 = arith.constant 85 : i32
      %get3A_1650 = arith.index_cast %get3A_1649 : i32 to index
      %get3A_1651 = arith.constant 0 : index
      %get3A_1652 = tpu.vector_load %arg6[%get3A_1650, %get3A_1651] {strides = array<i32>} : memref<100x32xf32, #tpu.memory_space<vmem>>, vector<1x16xf32>,
      %get3A_1653 = vector.shape_cast %get3A_1652 : vector<1x16xf32> to vector<16xf32>
      %get3A_1654 = arith.constant 85 : i32
      %get3A_1655 = arith.index_cast %get3A_1654 : i32 to index
      %get3A_1656 = arith.constant 16 : index
      %get3A_1657 = tpu.vector_load %arg6[%get3A_1655, %get3A_1656] {strides = array<i32>} : memref<100x32xf32, #tpu.memory_space<vmem>>, vector<1x16xf32>,
      %get3A_1658 = vector.shape_cast %get3A_1657 : vector<1x16xf32> to vector<16xf32>
      %mul3A_1659 = arith.mulf %get3A_1653, %gather3A_1648 : vector<16xf32>
      %add3A_1660 = arith.addf %add3A_1642, %mul3A_1659 : vector<16xf32>
      %mul3A_1661 = arith.mulf %get3A_1658, %gather3A_1648 : vector<16xf32>
      %add3A_1662 = arith.addf %add3A_1644, %mul3A_1661 : vector<16xf32>
      %broadcast_in_dim3A_1663 = arith.constant 4 : i32
      %broadcast_in_dim3A_1664 = vector.broadcast %broadcast_in_dim3A_1663 : i32 to vector<16x1xi32>
      %gather3A_1665 = vector.shape_cast %broadcast_in_dim3A_1664 : vector<16x1xi32> to vector<16xi32>
      %gather3A_1666 = tpu.dynamic_gather %select_n3A_999[%gather3A_1665] in [0] : vector<16xf32>, vector<16xi32> -> vector<16xf32>
      %get3A_1667 = arith.constant 86 : i32
      %get3A_1668 = arith.index_cast %get3A_1667 : i32 to index
      %get3A_1669 = arith.constant 0 : index
      %get3A_1670 = tpu.vector_load %arg6[%get3A_1668, %get3A_1669] {strides = array<i32>} : memref<100x32xf32, #tpu.memory_space<vmem>>, vector<1x16xf32>,
      %get3A_1671 = vector.shape_cast %get3A_1670 : vector<1x16xf32> to vector<16xf32>
      %get3A_1672 = arith.constant 86 : i32
      %get3A_1673 = arith.index_cast %get3A_1672 : i32 to index
      %get3A_1674 = arith.constant 16 : index
      %get3A_1675 = tpu.vector_load %arg6[%get3A_1673, %get3A_1674] {strides = array<i32>} : memref<100x32xf32, #tpu.memory_space<vmem>>, vector<1x16xf32>,
      %get3A_1676 = vector.shape_cast %get3A_1675 : vector<1x16xf32> to vector<16xf32>
      %mul3A_1677 = arith.mulf %get3A_1671, %gather3A_1666 : vector<16xf32>
      %add3A_1678 = arith.addf %add3A_1660, %mul3A_1677 : vector<16xf32>
      %mul3A_1679 = arith.mulf %get3A_1676, %gather3A_1666 : vector<16xf32>
      %add3A_1680 = arith.addf %add3A_1662, %mul3A_1679 : vector<16xf32>
      %broadcast_in_dim3A_1681 = arith.constant 5 : i32
      %broadcast_in_dim3A_1682 = vector.broadcast %broadcast_in_dim3A_1681 : i32 to vector<16x1xi32>
      %gather3A_1683 = vector.shape_cast %broadcast_in_dim3A_1682 : vector<16x1xi32> to vector<16xi32>
      %gather3A_1684 = tpu.dynamic_gather %select_n3A_999[%gather3A_1683] in [0] : vector<16xf32>, vector<16xi32> -> vector<16xf32>
      %get3A_1685 = arith.constant 87 : i32
      %get3A_1686 = arith.index_cast %get3A_1685 : i32 to index
      %get3A_1687 = arith.constant 0 : index
      %get3A_1688 = tpu.vector_load %arg6[%get3A_1686, %get3A_1687] {strides = array<i32>} : memref<100x32xf32, #tpu.memory_space<vmem>>, vector<1x16xf32>,
      %get3A_1689 = vector.shape_cast %get3A_1688 : vector<1x16xf32> to vector<16xf32>
      %get3A_1690 = arith.constant 87 : i32
      %get3A_1691 = arith.index_cast %get3A_1690 : i32 to index
      %get3A_1692 = arith.constant 16 : index
      %get3A_1693 = tpu.vector_load %arg6[%get3A_1691, %get3A_1692] {strides = array<i32>} : memref<100x32xf32, #tpu.memory_space<vmem>>, vector<1x16xf32>,
      %get3A_1694 = vector.shape_cast %get3A_1693 : vector<1x16xf32> to vector<16xf32>
      %mul3A_1695 = arith.mulf %get3A_1689, %gather3A_1684 : vector<16xf32>
      %add3A_1696 = arith.addf %add3A_1678, %mul3A_1695 : vector<16xf32>
      %mul3A_1697 = arith.mulf %get3A_1694, %gather3A_1684 : vector<16xf32>
      %add3A_1698 = arith.addf %add3A_1680, %mul3A_1697 : vector<16xf32>
      %broadcast_in_dim3A_1699 = arith.constant 6 : i32
      %broadcast_in_dim3A_1700 = vector.broadcast %broadcast_in_dim3A_1699 : i32 to vector<16x1xi32>
      %gather3A_1701 = vector.shape_cast %broadcast_in_dim3A_1700 : vector<16x1xi32> to vector<16xi32>
      %gather3A_1702 = tpu.dynamic_gather %select_n3A_999[%gather3A_1701] in [0] : vector<16xf32>, vector<16xi32> -> vector<16xf32>
      %get3A_1703 = arith.constant 88 : i32
      %get3A_1704 = arith.index_cast %get3A_1703 : i32 to index
      %get3A_1705 = arith.constant 0 : index
      %get3A_1706 = tpu.vector_load %arg6[%get3A_1704, %get3A_1705] {strides = array<i32>} : memref<100x32xf32, #tpu.memory_space<vmem>>, vector<1x16xf32>,
      %get3A_1707 = vector.shape_cast %get3A_1706 : vector<1x16xf32> to vector<16xf32>
      %get3A_1708 = arith.constant 88 : i32
      %get3A_1709 = arith.index_cast %get3A_1708 : i32 to index
      %get3A_1710 = arith.constant 16 : index
      %get3A_1711 = tpu.vector_load %arg6[%get3A_1709, %get3A_1710] {strides = array<i32>} : memref<100x32xf32, #tpu.memory_space<vmem>>, vector<1x16xf32>,
      %get3A_1712 = vector.shape_cast %get3A_1711 : vector<1x16xf32> to vector<16xf32>
      %mul3A_1713 = arith.mulf %get3A_1707, %gather3A_1702 : vector<16xf32>
      %add3A_1714 = arith.addf %add3A_1696, %mul3A_1713 : vector<16xf32>
      %mul3A_1715 = arith.mulf %get3A_1712, %gather3A_1702 : vector<16xf32>
      %add3A_1716 = arith.addf %add3A_1698, %mul3A_1715 : vector<16xf32>
      %broadcast_in_dim3A_1717 = arith.constant 7 : i32
      %broadcast_in_dim3A_1718 = vector.broadcast %broadcast_in_dim3A_1717 : i32 to vector<16x1xi32>
      %gather3A_1719 = vector.shape_cast %broadcast_in_dim3A_1718 : vector<16x1xi32> to vector<16xi32>
      %gather3A_1720 = tpu.dynamic_gather %select_n3A_999[%gather3A_1719] in [0] : vector<16xf32>, vector<16xi32> -> vector<16xf32>
      %get3A_1721 = arith.constant 89 : i32
      %get3A_1722 = arith.index_cast %get3A_1721 : i32 to index
      %get3A_1723 = arith.constant 0 : index
      %get3A_1724 = tpu.vector_load %arg6[%get3A_1722, %get3A_1723] {strides = array<i32>} : memref<100x32xf32, #tpu.memory_space<vmem>>, vector<1x16xf32>,
      %get3A_1725 = vector.shape_cast %get3A_1724 : vector<1x16xf32> to vector<16xf32>
      %get3A_1726 = arith.constant 89 : i32
      %get3A_1727 = arith.index_cast %get3A_1726 : i32 to index
      %get3A_1728 = arith.constant 16 : index
      %get3A_1729 = tpu.vector_load %arg6[%get3A_1727, %get3A_1728] {strides = array<i32>} : memref<100x32xf32, #tpu.memory_space<vmem>>, vector<1x16xf32>,
      %get3A_1730 = vector.shape_cast %get3A_1729 : vector<1x16xf32> to vector<16xf32>
      %mul3A_1731 = arith.mulf %get3A_1725, %gather3A_1720 : vector<16xf32>
      %add3A_1732 = arith.addf %add3A_1714, %mul3A_1731 : vector<16xf32>
      %mul3A_1733 = arith.mulf %get3A_1730, %gather3A_1720 : vector<16xf32>
      %add3A_1734 = arith.addf %add3A_1716, %mul3A_1733 : vector<16xf32>
      %broadcast_in_dim3A_1735 = arith.constant 8 : i32
      %broadcast_in_dim3A_1736 = vector.broadcast %broadcast_in_dim3A_1735 : i32 to vector<16x1xi32>
      %gather3A_1737 = vector.shape_cast %broadcast_in_dim3A_1736 : vector<16x1xi32> to vector<16xi32>
      %gather3A_1738 = tpu.dynamic_gather %select_n3A_999[%gather3A_1737] in [0] : vector<16xf32>, vector<16xi32> -> vector<16xf32>
      %get3A_1739 = arith.constant 90 : i32
      %get3A_1740 = arith.index_cast %get3A_1739 : i32 to index
      %get3A_1741 = arith.constant 0 : index
      %get3A_1742 = tpu.vector_load %arg6[%get3A_1740, %get3A_1741] {strides = array<i32>} : memref<100x32xf32, #tpu.memory_space<vmem>>, vector<1x16xf32>,
      %get3A_1743 = vector.shape_cast %get3A_1742 : vector<1x16xf32> to vector<16xf32>
      %get3A_1744 = arith.constant 90 : i32
      %get3A_1745 = arith.index_cast %get3A_1744 : i32 to index
      %get3A_1746 = arith.constant 16 : index
      %get3A_1747 = tpu.vector_load %arg6[%get3A_1745, %get3A_1746] {strides = array<i32>} : memref<100x32xf32, #tpu.memory_space<vmem>>, vector<1x16xf32>,
      %get3A_1748 = vector.shape_cast %get3A_1747 : vector<1x16xf32> to vector<16xf32>
      %mul3A_1749 = arith.mulf %get3A_1743, %gather3A_1738 : vector<16xf32>
      %add3A_1750 = arith.addf %add3A_1732, %mul3A_1749 : vector<16xf32>
      %mul3A_1751 = arith.mulf %get3A_1748, %gather3A_1738 : vector<16xf32>
      %add3A_1752 = arith.addf %add3A_1734, %mul3A_1751 : vector<16xf32>
      %broadcast_in_dim3A_1753 = arith.constant 9 : i32
      %broadcast_in_dim3A_1754 = vector.broadcast %broadcast_in_dim3A_1753 : i32 to vector<16x1xi32>
      %gather3A_1755 = vector.shape_cast %broadcast_in_dim3A_1754 : vector<16x1xi32> to vector<16xi32>
      %gather3A_1756 = tpu.dynamic_gather %select_n3A_999[%gather3A_1755] in [0] : vector<16xf32>, vector<16xi32> -> vector<16xf32>
      %get3A_1757 = arith.constant 91 : i32
      %get3A_1758 = arith.index_cast %get3A_1757 : i32 to index
      %get3A_1759 = arith.constant 0 : index
      %get3A_1760 = tpu.vector_load %arg6[%get3A_1758, %get3A_1759] {strides = array<i32>} : memref<100x32xf32, #tpu.memory_space<vmem>>, vector<1x16xf32>,
      %get3A_1761 = vector.shape_cast %get3A_1760 : vector<1x16xf32> to vector<16xf32>
      %get3A_1762 = arith.constant 91 : i32
      %get3A_1763 = arith.index_cast %get3A_1762 : i32 to index
      %get3A_1764 = arith.constant 16 : index
      %get3A_1765 = tpu.vector_load %arg6[%get3A_1763, %get3A_1764] {strides = array<i32>} : memref<100x32xf32, #tpu.memory_space<vmem>>, vector<1x16xf32>,
      %get3A_1766 = vector.shape_cast %get3A_1765 : vector<1x16xf32> to vector<16xf32>
      %mul3A_1767 = arith.mulf %get3A_1761, %gather3A_1756 : vector<16xf32>
      %add3A_1768 = arith.addf %add3A_1750, %mul3A_1767 : vector<16xf32>
      %mul3A_1769 = arith.mulf %get3A_1766, %gather3A_1756 : vector<16xf32>
      %add3A_1770 = arith.addf %add3A_1752, %mul3A_1769 : vector<16xf32>
      %broadcast_in_dim3A_1771 = arith.constant 10 : i32
      %broadcast_in_dim3A_1772 = vector.broadcast %broadcast_in_dim3A_1771 : i32 to vector<16x1xi32>
      %gather3A_1773 = vector.shape_cast %broadcast_in_dim3A_1772 : vector<16x1xi32> to vector<16xi32>
      %gather3A_1774 = tpu.dynamic_gather %select_n3A_999[%gather3A_1773] in [0] : vector<16xf32>, vector<16xi32> -> vector<16xf32>
      %get3A_1775 = arith.constant 92 : i32
      %get3A_1776 = arith.index_cast %get3A_1775 : i32 to index
      %get3A_1777 = arith.constant 0 : index
      %get3A_1778 = tpu.vector_load %arg6[%get3A_1776, %get3A_1777] {strides = array<i32>} : memref<100x32xf32, #tpu.memory_space<vmem>>, vector<1x16xf32>,
      %get3A_1779 = vector.shape_cast %get3A_1778 : vector<1x16xf32> to vector<16xf32>
      %get3A_1780 = arith.constant 92 : i32
      %get3A_1781 = arith.index_cast %get3A_1780 : i32 to index
      %get3A_1782 = arith.constant 16 : index
      %get3A_1783 = tpu.vector_load %arg6[%get3A_1781, %get3A_1782] {strides = array<i32>} : memref<100x32xf32, #tpu.memory_space<vmem>>, vector<1x16xf32>,
      %get3A_1784 = vector.shape_cast %get3A_1783 : vector<1x16xf32> to vector<16xf32>
      %mul3A_1785 = arith.mulf %get3A_1779, %gather3A_1774 : vector<16xf32>
      %add3A_1786 = arith.addf %add3A_1768, %mul3A_1785 : vector<16xf32>
      %mul3A_1787 = arith.mulf %get3A_1784, %gather3A_1774 : vector<16xf32>
      %add3A_1788 = arith.addf %add3A_1770, %mul3A_1787 : vector<16xf32>
      %broadcast_in_dim3A_1789 = arith.constant 11 : i32
      %broadcast_in_dim3A_1790 = vector.broadcast %broadcast_in_dim3A_1789 : i32 to vector<16x1xi32>
      %gather3A_1791 = vector.shape_cast %broadcast_in_dim3A_1790 : vector<16x1xi32> to vector<16xi32>
      %gather3A_1792 = tpu.dynamic_gather %select_n3A_999[%gather3A_1791] in [0] : vector<16xf32>, vector<16xi32> -> vector<16xf32>
      %get3A_1793 = arith.constant 93 : i32
      %get3A_1794 = arith.index_cast %get3A_1793 : i32 to index
      %get3A_1795 = arith.constant 0 : index
      %get3A_1796 = tpu.vector_load %arg6[%get3A_1794, %get3A_1795] {strides = array<i32>} : memref<100x32xf32, #tpu.memory_space<vmem>>, vector<1x16xf32>,
      %get3A_1797 = vector.shape_cast %get3A_1796 : vector<1x16xf32> to vector<16xf32>
      %get3A_1798 = arith.constant 93 : i32
      %get3A_1799 = arith.index_cast %get3A_1798 : i32 to index
      %get3A_1800 = arith.constant 16 : index
      %get3A_1801 = tpu.vector_load %arg6[%get3A_1799, %get3A_1800] {strides = array<i32>} : memref<100x32xf32, #tpu.memory_space<vmem>>, vector<1x16xf32>,
      %get3A_1802 = vector.shape_cast %get3A_1801 : vector<1x16xf32> to vector<16xf32>
      %mul3A_1803 = arith.mulf %get3A_1797, %gather3A_1792 : vector<16xf32>
      %add3A_1804 = arith.addf %add3A_1786, %mul3A_1803 : vector<16xf32>
      %mul3A_1805 = arith.mulf %get3A_1802, %gather3A_1792 : vector<16xf32>
      %add3A_1806 = arith.addf %add3A_1788, %mul3A_1805 : vector<16xf32>
      %broadcast_in_dim3A_1807 = arith.constant 12 : i32
      %broadcast_in_dim3A_1808 = vector.broadcast %broadcast_in_dim3A_1807 : i32 to vector<16x1xi32>
      %gather3A_1809 = vector.shape_cast %broadcast_in_dim3A_1808 : vector<16x1xi32> to vector<16xi32>
      %gather3A_1810 = tpu.dynamic_gather %select_n3A_999[%gather3A_1809] in [0] : vector<16xf32>, vector<16xi32> -> vector<16xf32>
      %get3A_1811 = arith.constant 94 : i32
      %get3A_1812 = arith.index_cast %get3A_1811 : i32 to index
      %get3A_1813 = arith.constant 0 : index
      %get3A_1814 = tpu.vector_load %arg6[%get3A_1812, %get3A_1813] {strides = array<i32>} : memref<100x32xf32, #tpu.memory_space<vmem>>, vector<1x16xf32>,
      %get3A_1815 = vector.shape_cast %get3A_1814 : vector<1x16xf32> to vector<16xf32>
      %get3A_1816 = arith.constant 94 : i32
      %get3A_1817 = arith.index_cast %get3A_1816 : i32 to index
      %get3A_1818 = arith.constant 16 : index
      %get3A_1819 = tpu.vector_load %arg6[%get3A_1817, %get3A_1818] {strides = array<i32>} : memref<100x32xf32, #tpu.memory_space<vmem>>, vector<1x16xf32>,
      %get3A_1820 = vector.shape_cast %get3A_1819 : vector<1x16xf32> to vector<16xf32>
      %mul3A_1821 = arith.mulf %get3A_1815, %gather3A_1810 : vector<16xf32>
      %add3A_1822 = arith.addf %add3A_1804, %mul3A_1821 : vector<16xf32>
      %mul3A_1823 = arith.mulf %get3A_1820, %gather3A_1810 : vector<16xf32>
      %add3A_1824 = arith.addf %add3A_1806, %mul3A_1823 : vector<16xf32>
      %broadcast_in_dim3A_1825 = arith.constant 13 : i32
      %broadcast_in_dim3A_1826 = vector.broadcast %broadcast_in_dim3A_1825 : i32 to vector<16x1xi32>
      %gather3A_1827 = vector.shape_cast %broadcast_in_dim3A_1826 : vector<16x1xi32> to vector<16xi32>
      %gather3A_1828 = tpu.dynamic_gather %select_n3A_999[%gather3A_1827] in [0] : vector<16xf32>, vector<16xi32> -> vector<16xf32>
      %get3A_1829 = arith.constant 95 : i32
      %get3A_1830 = arith.index_cast %get3A_1829 : i32 to index
      %get3A_1831 = arith.constant 0 : index
      %get3A_1832 = tpu.vector_load %arg6[%get3A_1830, %get3A_1831] {strides = array<i32>} : memref<100x32xf32, #tpu.memory_space<vmem>>, vector<1x16xf32>,
      %get3A_1833 = vector.shape_cast %get3A_1832 : vector<1x16xf32> to vector<16xf32>
      %get3A_1834 = arith.constant 95 : i32
      %get3A_1835 = arith.index_cast %get3A_1834 : i32 to index
      %get3A_1836 = arith.constant 16 : index
      %get3A_1837 = tpu.vector_load %arg6[%get3A_1835, %get3A_1836] {strides = array<i32>} : memref<100x32xf32, #tpu.memory_space<vmem>>, vector<1x16xf32>,
      %get3A_1838 = vector.shape_cast %get3A_1837 : vector<1x16xf32> to vector<16xf32>
      %mul3A_1839 = arith.mulf %get3A_1833, %gather3A_1828 : vector<16xf32>
      %add3A_1840 = arith.addf %add3A_1822, %mul3A_1839 : vector<16xf32>
      %mul3A_1841 = arith.mulf %get3A_1838, %gather3A_1828 : vector<16xf32>
      %add3A_1842 = arith.addf %add3A_1824, %mul3A_1841 : vector<16xf32>
      %broadcast_in_dim3A_1843 = arith.constant 14 : i32
      %broadcast_in_dim3A_1844 = vector.broadcast %broadcast_in_dim3A_1843 : i32 to vector<16x1xi32>
      %gather3A_1845 = vector.shape_cast %broadcast_in_dim3A_1844 : vector<16x1xi32> to vector<16xi32>
      %gather3A_1846 = tpu.dynamic_gather %select_n3A_999[%gather3A_1845] in [0] : vector<16xf32>, vector<16xi32> -> vector<16xf32>
      %get3A_1847 = arith.constant 96 : i32
      %get3A_1848 = arith.index_cast %get3A_1847 : i32 to index
      %get3A_1849 = arith.constant 0 : index
      %get3A_1850 = tpu.vector_load %arg6[%get3A_1848, %get3A_1849] {strides = array<i32>} : memref<100x32xf32, #tpu.memory_space<vmem>>, vector<1x16xf32>,
      %get3A_1851 = vector.shape_cast %get3A_1850 : vector<1x16xf32> to vector<16xf32>
      %get3A_1852 = arith.constant 96 : i32
      %get3A_1853 = arith.index_cast %get3A_1852 : i32 to index
      %get3A_1854 = arith.constant 16 : index
      %get3A_1855 = tpu.vector_load %arg6[%get3A_1853, %get3A_1854] {strides = array<i32>} : memref<100x32xf32, #tpu.memory_space<vmem>>, vector<1x16xf32>,
      %get3A_1856 = vector.shape_cast %get3A_1855 : vector<1x16xf32> to vector<16xf32>
      %mul3A_1857 = arith.mulf %get3A_1851, %gather3A_1846 : vector<16xf32>
      %add3A_1858 = arith.addf %add3A_1840, %mul3A_1857 : vector<16xf32>
      %mul3A_1859 = arith.mulf %get3A_1856, %gather3A_1846 : vector<16xf32>
      %add3A_1860 = arith.addf %add3A_1842, %mul3A_1859 : vector<16xf32>
      %broadcast_in_dim3A_1861 = arith.constant 15 : i32
      %broadcast_in_dim3A_1862 = vector.broadcast %broadcast_in_dim3A_1861 : i32 to vector<16x1xi32>
      %gather3A_1863 = vector.shape_cast %broadcast_in_dim3A_1862 : vector<16x1xi32> to vector<16xi32>
      %gather3A_1864 = tpu.dynamic_gather %select_n3A_999[%gather3A_1863] in [0] : vector<16xf32>, vector<16xi32> -> vector<16xf32>
      %get3A_1865 = arith.constant 97 : i32
      %get3A_1866 = arith.index_cast %get3A_1865 : i32 to index
      %get3A_1867 = arith.constant 0 : index
      %get3A_1868 = tpu.vector_load %arg6[%get3A_1866, %get3A_1867] {strides = array<i32>} : memref<100x32xf32, #tpu.memory_space<vmem>>, vector<1x16xf32>,
      %get3A_1869 = vector.shape_cast %get3A_1868 : vector<1x16xf32> to vector<16xf32>
      %get3A_1870 = arith.constant 97 : i32
      %get3A_1871 = arith.index_cast %get3A_1870 : i32 to index
      %get3A_1872 = arith.constant 16 : index
      %get3A_1873 = tpu.vector_load %arg6[%get3A_1871, %get3A_1872] {strides = array<i32>} : memref<100x32xf32, #tpu.memory_space<vmem>>, vector<1x16xf32>,
      %get3A_1874 = vector.shape_cast %get3A_1873 : vector<1x16xf32> to vector<16xf32>
      %mul3A_1875 = arith.mulf %get3A_1869, %gather3A_1864 : vector<16xf32>
      %add3A_1876 = arith.addf %add3A_1858, %mul3A_1875 : vector<16xf32>
      %mul3A_1877 = arith.mulf %get3A_1874, %gather3A_1864 : vector<16xf32>
      %add3A_1878 = arith.addf %add3A_1860, %mul3A_1877 : vector<16xf32>
      %broadcast_in_dim3A_1879 = arith.constant 14 : i32
      %broadcast_in_dim3A_1880 = vector.broadcast %broadcast_in_dim3A_1879 : i32 to vector<16x1xi32>
      %gather3A_1881 = vector.shape_cast %broadcast_in_dim3A_1880 : vector<16x1xi32> to vector<16xi32>
      %gather3A_1882 = tpu.dynamic_gather %select_n3A_1010[%gather3A_1881] in [0] : vector<16xf32>, vector<16xi32> -> vector<16xf32>
      %get3A_1883 = arith.constant 98 : i32
      %get3A_1884 = arith.index_cast %get3A_1883 : i32 to index
      %get3A_1885 = arith.constant 0 : index
      %get3A_1886 = tpu.vector_load %arg6[%get3A_1884, %get3A_1885] {strides = array<i32>} : memref<100x32xf32, #tpu.memory_space<vmem>>, vector<1x16xf32>,
      %get3A_1887 = vector.shape_cast %get3A_1886 : vector<1x16xf32> to vector<16xf32>
      %get3A_1888 = arith.constant 98 : i32
      %get3A_1889 = arith.index_cast %get3A_1888 : i32 to index
      %get3A_1890 = arith.constant 16 : index
      %get3A_1891 = tpu.vector_load %arg6[%get3A_1889, %get3A_1890] {strides = array<i32>} : memref<100x32xf32, #tpu.memory_space<vmem>>, vector<1x16xf32>,
      %get3A_1892 = vector.shape_cast %get3A_1891 : vector<1x16xf32> to vector<16xf32>
      %mul3A_1893 = arith.mulf %get3A_1887, %gather3A_1882 : vector<16xf32>
      %add3A_1894 = arith.addf %add3A_1876, %mul3A_1893 : vector<16xf32>
      %mul3A_1895 = arith.mulf %get3A_1892, %gather3A_1882 : vector<16xf32>
      %add3A_1896 = arith.addf %add3A_1878, %mul3A_1895 : vector<16xf32>
      %broadcast_in_dim3A_1897 = arith.constant 15 : i32
      %broadcast_in_dim3A_1898 = vector.broadcast %broadcast_in_dim3A_1897 : i32 to vector<16x1xi32>
      %gather3A_1899 = vector.shape_cast %broadcast_in_dim3A_1898 : vector<16x1xi32> to vector<16xi32>
      %gather3A_1900 = tpu.dynamic_gather %select_n3A_1010[%gather3A_1899] in [0] : vector<16xf32>, vector<16xi32> -> vector<16xf32>
      %get3A_1901 = arith.constant 99 : i32
      %get3A_1902 = arith.index_cast %get3A_1901 : i32 to index
      %get3A_1903 = arith.constant 0 : index
      %get3A_1904 = tpu.vector_load %arg6[%get3A_1902, %get3A_1903] {strides = array<i32>} : memref<100x32xf32, #tpu.memory_space<vmem>>, vector<1x16xf32>,
      %get3A_1905 = vector.shape_cast %get3A_1904 : vector<1x16xf32> to vector<16xf32>
      %get3A_1906 = arith.constant 99 : i32
      %get3A_1907 = arith.index_cast %get3A_1906 : i32 to index
      %get3A_1908 = arith.constant 16 : index
      %get3A_1909 = tpu.vector_load %arg6[%get3A_1907, %get3A_1908] {strides = array<i32>} : memref<100x32xf32, #tpu.memory_space<vmem>>, vector<1x16xf32>,
      %get3A_1910 = vector.shape_cast %get3A_1909 : vector<1x16xf32> to vector<16xf32>
      %mul3A_1911 = arith.mulf %get3A_1905, %gather3A_1900 : vector<16xf32>
      %add3A_1912 = arith.addf %add3A_1894, %mul3A_1911 : vector<16xf32>
      %mul3A_1913 = arith.mulf %get3A_1910, %gather3A_1900 : vector<16xf32>
      %add3A_1914 = arith.addf %add3A_1896, %mul3A_1913 : vector<16xf32>
      %swap3A_1915 = arith.constant 1 : i32
      %swap3A_1916 = arith.index_cast %swap3A_1915 : i32 to index
      %swap3A_1917 = arith.constant 0 : index
      %swap3A_1918 = tpu.vector_load %arg7[%swap3A_1916, %swap3A_1917] {strides = array<i32>} : memref<2x32xf32, #tpu.memory_space<vmem>>, vector<1x16xf32>,
      %swap3A_1919 = vector.shape_cast %swap3A_1918 : vector<1x16xf32> to vector<16xf32>
      %swap3A_1920 = vector.shape_cast %add3A_1912 : vector<16xf32> to vector<1x16xf32>
      tpu.vector_store %arg7[%swap3A_1916, %swap3A_1917], %swap3A_1920 {strides = array<i32>} : memref<2x32xf32, #tpu.memory_space<vmem>>, vector<1x16xf32>,
      %swap3A_1921 = arith.constant 1 : i32
      %swap3A_1922 = arith.index_cast %swap3A_1921 : i32 to index
      %swap3A_1923 = arith.constant 16 : index
      %swap3A_1924 = tpu.vector_load %arg7[%swap3A_1922, %swap3A_1923] {strides = array<i32>} : memref<2x32xf32, #tpu.memory_space<vmem>>, vector<1x16xf32>,
      %swap3A_1925 = vector.shape_cast %swap3A_1924 : vector<1x16xf32> to vector<16xf32>
      %swap3A_1926 = vector.shape_cast %add3A_1914 : vector<16xf32> to vector<1x16xf32>
      tpu.vector_store %arg7[%swap3A_1922, %swap3A_1923], %swap3A_1926 {strides = array<i32>} : memref<2x32xf32, #tpu.memory_space<vmem>>, vector<1x16xf32>,
      "tpu.region"() ({
        %run_scoped3A = tpu.sem_alloc : memref<!tpu.dma_semaphore, #tpu.memory_space<semaphore_mem>>
        %dma_start3A_1927 = arith.constant 0 : i32
        %dma_start3A_1928 = arith.constant 0 : i32
        %dma_start3A_1929 = tpu.memref_slice %arg4[%add3A, %add3A_9, %dma_start3A_1927, %dma_start3A_1928] : memref<32x1664x2x32xf32, #tpu.memory_space<hbm>> -> memref<1x1x2x32xf32, #tpu.memory_space<hbm>>
        %dma_start3A_1930 = tpu.memref_squeeze %dma_start3A_1929 : memref<1x1x2x32xf32, #tpu.memory_space<hbm>> -> memref<2x32xf32, #tpu.memory_space<hbm>>
        %dma_start3A_1931 = arith.constant 0 : i32
        %dma_start3A_1932 = arith.constant 0 : i32
        %dma_start3A_1933 = tpu.memref_slice %arg4[%add3A, %add3A_9, %dma_start3A_1931, %dma_start3A_1932] : memref<32x1664x2x32xf32, #tpu.memory_space<hbm>> -> memref<1x1x2x32xf32, #tpu.memory_space<hbm>>
        %dma_start3A_1934 = tpu.memref_squeeze %dma_start3A_1933 : memref<1x1x2x32xf32, #tpu.memory_space<hbm>> -> memref<2x32xf32, #tpu.memory_space<hbm>>
        tpu.enqueue_dma source(%arg7 : memref<2x32xf32, #tpu.memory_space<vmem>>) target(%dma_start3A_1934 : memref<2x32xf32, #tpu.memory_space<hbm>>) target_semaphore(%run_scoped3A : memref<!tpu.dma_semaphore, #tpu.memory_space<semaphore_mem>>)
        %dma_wait3A_1935 = arith.constant 0 : i32
        %dma_wait3A_1936 = arith.constant 0 : i32
        %dma_wait3A_1937 = tpu.memref_slice %arg4[%add3A, %add3A_9, %dma_wait3A_1935, %dma_wait3A_1936] : memref<32x1664x2x32xf32, #tpu.memory_space<hbm>> -> memref<1x1x2x32xf32, #tpu.memory_space<hbm>>
        %dma_wait3A_1938 = tpu.memref_squeeze %dma_wait3A_1937 : memref<1x1x2x32xf32, #tpu.memory_space<hbm>> -> memref<2x32xf32, #tpu.memory_space<hbm>>
        %dma_wait3A_1939 = arith.constant 0 : i32
        %dma_wait3A_1940 = arith.constant 0 : i32
        %dma_wait3A_1941 = tpu.memref_slice %arg4[%add3A, %add3A_9, %dma_wait3A_1939, %dma_wait3A_1940] : memref<32x1664x2x32xf32, #tpu.memory_space<hbm>> -> memref<1x1x2x32xf32, #tpu.memory_space<hbm>>
        %dma_wait3A_1942 = tpu.memref_squeeze %dma_wait3A_1941 : memref<1x1x2x32xf32, #tpu.memory_space<hbm>> -> memref<2x32xf32, #tpu.memory_space<hbm>>
        tpu.wait_dma2 semaphore(%run_scoped3A : memref<!tpu.dma_semaphore, #tpu.memory_space<semaphore_mem>>) src(%arg7 : memref<2x32xf32, #tpu.memory_space<vmem>>) dst(%dma_wait3A_1942 : memref<2x32xf32, #tpu.memory_space<hbm>>)
        tpu.yield
      }) : () -> ()
    }
    %scan3A_4 = arith.constant 1664 : i32
    return
  }
}

</mosaic_0001>

<sc_bundles>
// kernel: kernel.3.cloned.1.call-start
scs
__scs_entry_jumppad:
0x0: {  	(pc) =	sbr.rel $0x88, $3  }
0x1: {  	(tag) =	ssettag $0x0;
	lr =	simm.s32 $0x1  }
0x2: {  	[smem:$0x3F9F] =	sst lr;
	_ =	strace $0xD0000000  }
0x3: {  	_ = 	snop  }
0x4: {  	_ = 	snop  }
0x5: {  	_ = 	snop  }
0x6: {  	_ = 	snop  }
0x7: {  	_ = 	snop  }
__scs_overlays_trampoline_lowered:
0x8: {  	[smem:$0x3FAE] =	sst s0  }
0x9: {  	[smem:$0x3FAF] =	sst s1  }
0xa: {  	[smem:$0x3FB0] =	sst s2  }
0xb: {  	[smem:$0x3FB1] =	sst s3  }
0xc: {  	[smem:$0x3FB2] =	sst s4  }
0xd: {  	[smem:$0x3FB3] =	sst s5  }
0xe: {  	[smem:$0x3FB4] =	sst s6  }
0xf: {  	[smem:$0x3FB5] =	sst s7  }
0x10: {  	[smem:$0x3FB6] =	sst s8  }
0x11: {  	[smem:$0x3FB7] =	sst s9;
	s0 =	simm.s32 @!p0 $0x0  }
0x12: {  	s1 =	sld [smem:$0x3F9D];
	s0 =	simm.s32 @p0 $0x1  }
0x13: {  	[smem:$0x3FB8] =	sst s0;
	s0 =	simm.s32 @!p1 $0x0  }
0x14: {  	s2 =	sld [smem:$0x3F9C];
	s0 =	simm.s32 @p1 $0x1  }
0x15: {  	[smem:$0x3FB9] =	sst s0;
	s0 =	simm.s32 @!p2 $0x0  }
0x16: {  	s3 =	sld [smem:$0x3FDB];
	s0 =	simm.s32 @p2 $0x1  }
0x17: {  	s4 =	simm.s32 $0x1BF5;
	[smem:$0x3FBB] =	sst s0  }
0x18: {  	s0 =	sld [smem:$0x3F9E];
	_ =	swait.ge [sflag:s4], $0x0  }
0x19: {  	s7 =	sld [smem:$0x3F9F]  }
0x1a: {  	s8 =	sadd.s32 $0xFFFFE003, lr  }
0x1b: {  	s9 =	sadd.s32 $0xFFFFFEF7, lr;
	s5 =	simm.s32 $0xFFFFFFFF;
	p2 =	slt.u32 s8, $0xFFFFF086  }
0x1c: {  	p1 =	slt.u32 s9, $0xF7A;
	s5 =	simm.s32 @!p2 $0x0  }
0x1d: {  	s5 =	simm.s32 @p1 $0x1;
	p0 =	seq.s32 s7, s2  }
0x1e: {  	s7 =	smul.u32 @!p0 $0xF7A, s2;
	p2 =	seq.s32 @!p0 s5, $0x0  }
0x1f: {  	s9 =	smul.u32 $0xF7A, s1;
	s8 =	simm.s32 @!p0 $0x1BF5;
	p2 =	por !p2, p0  }
0x20: {  	[sflag:s8] =	ssyncset.s32 @!p0 $0xFFFFF086;
	s6 =	sadd.s32 @!p0 s3, s7;
	s7 =	simm.s32 @!p0 $0x108  }
0x21: {  	s3 =	sadd.s32 s3, s9;
	s6 =	sadd.s32 @!p0 $0x88, s6;
	s7 =	simm.s32 @p2 $0x1082  }
0x22: {  	[simem:s7], [sflag:s8] =	dma.local @!p0 [hbm:s6], $0xF7A  }
0x23: {  	s9 =	sor.u32 $0xD0000000, s2;
	s6 =	simm.s32 $0x108;
	_ =	swait.ge @!p0 [sflag:s8], $0x0  }
0x24: {  	s3 =	sadd.s32 $0x88, s3;
	s6 =	simm.s32 @!p1 $0x1082;
	[sflag:s4] =	ssyncset.s32 $0xFFFFF086  }
0x25: {  	[simem:s6], [sflag:s4] =	dma.local [hbm:s3], $0xF7A  }
0x26: {  	[smem:$0x3F9F] =	sst s1;
	(tag) =	ssettag s2;
	_ =	strace s9  }
0x27: {  	s1 =	sld [smem:$0x3FAF]  }
0x28: {  	s2 =	sld [smem:$0x3FB0]  }
0x29: {  	s4 =	sld [smem:$0x3FB2]  }
0x2a: {  	p0 =	seq.s32 s5, $0x0;
	s5 =	sld [smem:$0x3FB3]  }
0x2b: {  	s6 =	sld [smem:$0x3FB4]  }
0x2c: {  	s7 =	sld [smem:$0x3FB5]  }
0x2d: {  	s3 =	simm.s32 $0x108;
	s8 =	sld [smem:$0x3FB6]  }
0x2e: {  	s3 =	simm.s32 @!p0 $0x1082;
	s9 =	sld [smem:$0x3FB7]  }
0x2f: {  	lr =	sadd.s32 s0, s3;
	s0 =	sld [smem:$0x3FAE]  }
0x30: {  	s3 =	sld [smem:$0x3FB1]  }
0x31: {  	[smem:$0x3FBA] =	sst s10  }
0x32: {  	s10 =	sld [smem:$0x3FB8];
	_ =	sdelay $0x3  }
0x33: {  	p0 =	seq.s32 s10, $0x1;
	s10 =	sld [smem:$0x3FBA];
	_ =	sdelay $0x3  }
0x34: {  	[smem:$0x3FBA] =	sst s10  }
0x35: {  	s10 =	sld [smem:$0x3FB9];
	_ =	sdelay $0x3  }
0x36: {  	p1 =	seq.s32 s10, $0x1;
	s10 =	sld [smem:$0x3FBA];
	_ =	sdelay $0x3  }
0x37: {  	[smem:$0x3FBA] =	sst s10  }
0x38: {  	s10 =	sld [smem:$0x3FBB]  }
0x39: {  	_ = 	snop;
	(pc) =	sbr.ind lr, $3  }
0x3a: {  	_ = 	snop  }
0x3b: {  	_ = 	snop  }
0x3c: {  	p2 =	seq.s32 s10, $0x1;
	s10 =	sld [smem:$0x3FBA]  }
0x3d: {  	_ =	shalt  }
0x3e: {  	_ =	shalt  }
0x3f: {  	_ =	shalt  }
0x40: {  	_ =	shalt  }
0x41: {  	_ =	shalt  }
0x42: {  	_ =	shalt  }
0x43: {  	_ =	shalt  }
0x44: {  	_ =	shalt  }
0x45: {  	_ =	shalt  }
0x46: {  	_ =	shalt  }
0x47: {  	_ =	shalt  }
0x48: {  	_ =	shalt  }
0x49: {  	_ =	shalt  }
0x4a: {  	_ =	shalt  }
0x4b: {  	_ =	shalt  }
0x4c: {  	_ =	shalt  }
0x4d: {  	_ =	shalt  }
0x4e: {  	_ =	shalt  }
0x4f: {  	_ =	shalt  }
0x50: {  	_ =	shalt  }
0x51: {  	_ =	shalt  }
0x52: {  	_ =	shalt  }
0x53: {  	_ =	shalt  }
0x54: {  	_ =	shalt  }
0x55: {  	_ =	shalt  }
0x56: {  	_ =	shalt  }
0x57: {  	_ =	shalt  }
0x58: {  	_ =	shalt  }
0x59: {  	_ =	shalt  }
0x5a: {  	_ =	shalt  }
0x5b: {  	_ =	shalt  }
0x5c: {  	_ =	shalt  }
0x5d: {  	_ =	shalt  }
0x5e: {  	_ =	shalt  }
0x5f: {  	_ =	shalt  }
0x60: {  	_ =	shalt  }
0x61: {  	_ =	shalt  }
0x62: {  	_ =	shalt  }
0x63: {  	_ =	shalt  }
0x64: {  	_ =	shalt  }
0x65: {  	_ =	shalt  }
0x66: {  	_ =	shalt  }
0x67: {  	_ =	shalt  }
0x68: {  	_ =	shalt  }
0x69: {  	_ =	shalt  }
0x6a: {  	_ =	shalt  }
0x6b: {  	_ =	shalt  }
0x6c: {  	_ =	shalt  }
0x6d: {  	_ =	shalt  }
0x6e: {  	_ =	shalt  }
0x6f: {  	_ =	shalt  }
0x70: {  	_ =	shalt  }
0x71: {  	_ =	shalt  }
0x72: {  	_ =	shalt  }
0x73: {  	_ =	shalt  }
0x74: {  	_ =	shalt  }
0x75: {  	_ =	shalt  }
0x76: {  	_ =	shalt  }
0x77: {  	_ =	shalt  }
0x78: {  	_ =	shalt  }
0x79: {  	_ =	shalt  }
0x7a: {  	_ =	shalt  }
0x7b: {  	_ =	shalt  }
0x7c: {  	_ =	shalt  }
0x7d: {  	_ =	shalt  }
0x7e: {  	_ =	shalt  }
0x7f: {  	_ =	shalt  }
0x80: {  	_ =	shalt  }
0x81: {  	_ =	shalt  }
0x82: {  	_ =	shalt  }
0x83: {  	_ =	shalt  }
0x84: {  	_ =	shalt  }
0x85: {  	_ =	shalt  }
0x86: {  	_ =	shalt  }
0x87: {  	_ =	shalt  }
.Lfunc_end0:
.L_simem_size_0:
called_computation_lowered:
.L_overlay_start_0:
0x88: {  	s2 =	sld [smem:$0x3FD9]  }
0x89: {  	s3 =	sld [smem:$0x3FFE];
	_ =	sdelay $0x1  }
0x8a: {  	s1 =	srdreg.scid  }
0x8b: {  	s0 =	sand.u32 $0x1, s1  }
0x8c: {  	s17 =	sshll.u32 s0, $0xA;
	s2 =	sadd.s32 s3, s2  }
0x8d: {  	s2 =	sadd.s32 s2, s17  }
0x8e: {  	[smem:$0x3FC6] =	sst s2  }
0x8f: {  	_ = 	snop  }
0x90: {  	s2 =	sld [smem:$0x3FD0];
	(tm) =	ssettm $0x1  }
0x91: {  	s18 =	sld [smem:$0x3FFB];
	_ =	sdelay $0x3  }
0x92: {  	_ =	strace s18  }
0x93: {  	s3 =	sld [smem:$0x3FFC];
	_ =	sdelay $0x3  }
0x94: {  	_ =	strace s3  }
0x95: {  	s3 =	sld [smem:$0x3FFD];
	_ =	sdelay $0x3  }
0x96: {  	_ =	strace s3  }
0x97: {  	_ =	strace $0x8FFFFFFF  }
0x98: {  	s19 =	sld [smem:$0x3FDB];
	_ =	sdelay $0x1  }
0x99: {  	s4 =	simm.s32 $_scs_section_size  }
0x9a: {  	s5 =	simm.s32 $_size__tile_overlayer_lowered;
	s6 =	simm.s32 $_tile_overlayer_lowered  }
0x9b: {  	s22 =	simm.s32 $0x1BFF;
	s21 =	sshll.u32 s6, $0x1;
	s3 =	sadd.s32 s4, s19  }
0x9c: {  	s7 =	simm.s32 $0x0;
	s20 =	sshll.u32 s5, $0x1;
	s5 =	sadd.s32 s21, s3  }
0x9d: {  	[timem:s7], [sflag:s22] =	dma.local [hbm:s5], s20  }
0x9e: {  	_ =	swait.ge [sflag:s22], s20  }
0x9f: {  	s4 =	ssub.s32 $0x0, s20;
	[sflag:s22] =	ssyncset.done $0x0  }
0xa0: {  	[sflag:s22] =	ssyncadd.s32 s4;
	_ =	sdelay $0x1  }
0xa1: {  	s23 =	simm.s32 $0x1B8B  }
0xa2: {  	_ =	swait.ge [sflag:s23], $0x1  }
0xa3: {  	[sflag:s23] =	ssyncset.done $0x0  }
0xa4: {  	s25 =	simm.s32 $0x1B8E;
	s24 =	sld [smem:$0x3FFE];
	[sflag:s23] =	ssyncadd.s32 $0xFFFFFFFF  }
0xa5: {  	s26 =	simm.s32 $execute0_lowered;
	[smem:$0x3FD2] =	sst s25  }
0xa6: {  	s5 =	sshll.u32 s26, $0x1;
	_ =	strace $0x80000046;
	[dreg:$0x1] =	wrdreg $0xFFFFFFFF  }
0xa7: {  	s28 =	simm.s32 $_size_execute0_lowered;
	s3 =	sadd.s32 s3, s5;
	[dreg:$0x0] =	wrdreg $0x0  }
0xa8: {  	s5 =	sshll.u32 s28, $0x1;
	[dreg:$0x2] =	wrdreg s3  }
0xa9: {  	[dreg:$0x3] =	wrdreg s5  }
0xaa: {  	[dreg:$0x4] =	wrdreg $0xC0  }
0xab: {  	_ =	task [dreg:s7], $0x5FFFF  }
0xac: {  	[dreg:$0x1] =	wrdreg $0xFFFFFFFF  }
0xad: {  	[dreg:$0x0] =	wrdreg $0x60  }
0xae: {  	[dreg:$0x2] =	wrdreg s24  }
0xaf: {  	[dreg:$0x3] =	wrdreg s2  }
0xb0: {  	[dreg:$0x4] =	wrdreg $0x9  }
0xb1: {  	_ =	task.clear_ibuf [dreg:s7], $0x5FFFF;
	_ =	strace $0x90000046  }
0xb2: {  	s29 =	simm.s32 $0x9;
	_ =	strace $0x80000048  }
0xb3: {  	_ =	swait.ge [sflag:s29], $0x1  }
0xb4: {  	[sflag:s29] =	ssyncadd.s32 $0xFFFFFFFF  }
0xb5: {  	_ =	strace $0x90000048  }
0xb6: {  	_ =	sfence  }
0xb7: {  	s30 =	sld [smem:$0x0];
	_ =	sdelay $0x2  }
0xb8: {  	s31 =	sshll.u32 s1, $0xD;
	s1 =	sshrl.u32 s1, $0x2  }
0xb9: {  	s3 =	sand.u32 $0x4000, s31;
	s1 =	sadd.s32 s1, s30  }
0xba: {  	s0 =	sor.u32 s3, s0;
	s1 =	sshll.u32 s1, $0x11  }
0xbb: {  	s0 =	sor.u32 s1, s0  }
0xbc: {  	s0 =	sadd.s32 $0x8F2B, s0  }
0xbd: {  	[sflag:s0] =	ssyncadd.remote.s32 $0x1  }
0xbe: {  	_ =	sfence.sel $0xFFFF  }
0xbf: {  	[dreg:$0x0] =	wrdreg $0xFFFFFFFF;
	(pc) =	sbr.abs _section_cstart, $3  }
0xc0: {  	[dreg:$0x1] =	wrdreg $0xFFFFFFFF  }
0xc1: {  	_ =	task.clear_ibuf [dreg:s7], $0x2FFFF;
	_ =	strace $0x9FFFFFFF  }
0xc2: {  	(tm) =	ssettm $0x7FFFFFFF  }
0xc3: {  	_ =	shalt  }
tec
execute0_lowered:
.L_overlay_start_1:
0x0: {  	(tag) =	ssettag $0x1  }
0x1: {  	s1 =	srdreg.scid;
	s3 =	rddreg [dreg:$0x0]  }
0x2: {  	s0 =	stileid.u32;
	s6 =	rddreg [dreg:$0x1]  }
0x3: {  	s2 =	simm.s32 $0x0;
	s10 =	simm.s32 $0x1;
	s5 =	smul.u32 $0x54800, s0  }
0x4: {  	s11 =	simm.s32 $0xCE8;
	s4 =	sand.u32 $0x1, s1;
	s8 =	smul.u32 $0x34000, s0  }
0x5: {  	s12 =	simm.s32 $0x0;
	s1 =	rddreg [dreg:$0x2];
	s7 =	smul.u32 $0x2A400, s4  }
0x6: {  	v0 =	vimm.s32 $0x0;
	v1 =	vimm.f32 $1.000000000e+00;
	[smem:$0x7FF] =	sst s2;
	s29 =	smul.u32 $0x1A000, s4;
	s4 =	ssub.s32 $0x2, s4  }
0x7: {  	v2 =	vimm.s32 $0x1;
	v3 =	vimm.s32 $0x2;
	v4 =	vimm.s32 $0x3;
	_ =	strace $0x80000047;
	s30 =	sshrl.u32 s4, $0x1;
	s5 =	sadd.s32 s7, s5  }
0x8: {  	v5 =	vimm.s32 $0x4;
	v6 =	vimm.s32 $0x5;
	v7 =	vimm.s32 $0x6;
	s7 =	sadd.s32 s29, s8;
	s4 =	ssub.s32 s4, s30;
	s8 =	simm.s32 $0x64  }
0x9: {  	v8 =	vimm.s32 $0x7;
	v9 =	vimm.s32 $0x8;
	v10 =	vimm.s32 $0x9;
	s5 =	sshrl.u32 s5, $0x3;
	s31 =	sshrl.u32 s7, $0x3;
	s4 =	smax.u32 s4, $0x1  }
0xa: {  	v11 =	vimm.s32 $0xA;
	v12 =	vimm.s32 $0xB;
	v13 =	vimm.s32 $0xC;
	s7 =	simm.s32 $0x2;
	s9 =	sadd.s32 s5, s3;
	s3 =	sadd.s32 $0xF42A00, s3  }
0xb: {  	v14 =	vimm.s32 $0xD;
	v15 =	vimm.s32 $0xE;
	v16 =	vimm.s32 $0xF;
	s5 =	sadd.s32 s31, s6;
	s6 =	sadd.s32 $0x600, s9;
	s9 =	simm.s32 $0x68  }
.LBB2_1:
0xc: {  	s13 =	smov.u32 s6;
	s14 =	simm.s32 $0x0  }
.LBB2_2:
0xd: {  	[tilespmem:s2], [sflag:$0x2] =	stream.linear.gather [hbm4b:s13+s2], $0x68, $0x38;
	[tilespmem:$0xD28] =	vst v63  }
0xe: {  	_ =	swait.ge [sflag:s7], $0x68  }
0xf: {  	[sflag:s7] =	ssyncset.done $0x0  }
0x10: {  	[sflag:s7] =	ssyncadd.s32 $0xFFFFFF98  }
0x11: {  	[tilespmem:s9], [sflag:$0x1] =	stream.indirect.gather [hbm4b:s3+s8], $0x20, s2, s8, $0xb8;
	[tilespmem:$0xD28] =	vst v63  }
0x12: {  	_ =	swait.ge [sflag:s10], $0xC80  }
0x13: {  	[sflag:s10] =	ssyncset.done $0x0  }
0x14: {  	[sflag:s10] =	ssyncadd.s32 $0xFFFFF380  }
0x15: {  	v19 =	vld [tilespmem:$0x0]  }
0x16: {  	v20 =	vld [tilespmem:$0x10]  }
0x17: {  	v18 =	vld [tilespmem:$0x20]  }
0x18: {  	v17 =	vld [tilespmem:$0x22]  }
0x19: {  	v21 =	vld [tilespmem:$0x68]  }
0x1a: {  	v22 =	vld [tilespmem:$0x78]  }
0x1b: {  	v23 =	vld [tilespmem:$0x88]  }
0x1c: {  	v24 =	vld [tilespmem:$0x98]  }
0x1d: {  	v25 =	vld [tilespmem:$0xA8]  }
0x1e: {  	v26 =	vld [tilespmem:$0xB8]  }
0x1f: {  	v27 =	vld [tilespmem:$0xC8]  }
0x20: {  	v28 =	vld [tilespmem:$0xD8]  }
0x21: {  	v29 =	vld [tilespmem:$0xE8]  }
0x22: {  	v30 =	vld [tilespmem:$0xF8]  }
0x23: {  	v31 =	vld [tilespmem:$0x108]  }
0x24: {  	v32 =	vld [tilespmem:$0x118]  }
0x25: {  	v33 =	vld [tilespmem:$0x128]  }
0x26: {  	v34 =	vld [tilespmem:$0x138]  }
0x27: {  	v35 =	vld [tilespmem:$0x148]  }
0x28: {  	v36 =	vld [tilespmem:$0x158]  }
0x29: {  	v37 =	vld [tilespmem:$0x168]  }
0x2a: {  	v38 =	vld [tilespmem:$0x178]  }
0x2b: {  	v39 =	vld [tilespmem:$0x188]  }
0x2c: {  	v40 =	vld [tilespmem:$0x198]  }
0x2d: {  	v41 =	vld [tilespmem:$0x1A8]  }
0x2e: {  	v43 =	vld [tilespmem:$0x1C8]  }
0x2f: {  	v45 =	vld [tilespmem:$0x1D8]  }
0x30: {  	v46 =	vld [tilespmem:$0x1E8]  }
0x31: {  	v48 =	vld [tilespmem:$0x1F8];
	vm0 =	veq.s32 v19, $0x0  }
0x32: {  	v50 =	vld [tilespmem:$0x218];
	v42 =	vsel vm0, $0x0, v1  }
0x33: {  	v51 =	vld [tilespmem:$0x238];
	v44 =	vperm.xlane v42, v0  }
0x34: {  	v19 =	vld [tilespmem:$0x1B8];
	v47 =	vperm.xlane v42, v2;
	v49 =	vperm.xlane v42, v3  }
0x35: {  	v21 =	vmul.f32 v21, v44;
	v22 =	vmul.f32 v22, v44;
	v44 =	vld [tilespmem:$0x208]  }
0x36: {  	v23 =	vmul.f32 v23, v47;
	v24 =	vmul.f32 v24, v47;
	v47 =	vld [tilespmem:$0x228]  }
0x37: {  	v62 =	vmul.f32 v26, v49;
	v26 =	vld [tilespmem:$0x248]  }
0x38: {  	v52 =	vperm.xlane v42, v5;
	v60 =	vmul.f32 v25, v49;
	v49 =	vld [tilespmem:$0x258]  }
0x39: {  	v61 =	vperm.xlane v42, v4;
	v25 =	vld [tilespmem:$0x268];
	v21 =	vadd.f32 $0.0e+00, v21  }
0x3a: {  	v55 =	vperm.xlane v42, v6;
	v54 =	vmul.f32 v29, v52;
	v29 =	vld [tilespmem:$0x278];
	v22 =	vadd.f32 $0.0e+00, v22  }
0x3b: {  	v63 =	vmul.f32 v27, v61;
	v27 =	vld [tilespmem:$0x288];
	v21 =	vadd.f32 v23, v21  }
0x3c: {  	v57 =	vmul.f32 v31, v55;
	v31 =	vld [tilespmem:$0x298];
	v22 =	vadd.f32 v24, v22  }
0x3d: {  	v53 =	vmul.f32 v28, v61;
	v28 =	vld [tilespmem:$0x2A8];
	v21 =	vadd.f32 v60, v21  }
0x3e: {  	v56 =	vmul.f32 v30, v52;
	v30 =	vld [tilespmem:$0x2C8];
	v22 =	vadd.f32 v62, v22  }
0x3f: {  	v59 =	vmul.f32 v32, v55;
	v32 =	vld [tilespmem:$0x2E8];
	v21 =	vadd.f32 v63, v21  }
0x40: {  	v58 =	vperm.xlane v42, v7;
	v24 =	vld [tilespmem:$0x348];
	v22 =	vadd.f32 v53, v22  }
0x41: {  	v23 =	vld [tilespmem:$0x658];
	v21 =	vadd.f32 v54, v21  }
0x42: {  	v61 =	vperm.xlane v42, v8;
	v60 =	vmul.f32 v33, v58;
	v33 =	vld [tilespmem:$0x2B8];
	v22 =	vadd.f32 v56, v22  }
0x43: {  	v62 =	vmul.f32 v34, v58;
	v34 =	vld [tilespmem:$0x308];
	v21 =	vadd.f32 v57, v21  }
0x44: {  	v52 =	vperm.xlane v42, v9;
	v63 =	vmul.f32 v35, v61;
	v35 =	vld [tilespmem:$0x2D8];
	v22 =	vadd.f32 v59, v22  }
0x45: {  	v53 =	vmul.f32 v36, v61;
	v36 =	vld [tilespmem:$0x328];
	v21 =	vadd.f32 v60, v21  }
0x46: {  	v61 =	vperm.xlane v42, v12;
	v54 =	vmul.f32 v37, v52;
	v37 =	vld [tilespmem:$0x2F8];
	v22 =	vadd.f32 v62, v22  }
0x47: {  	v55 =	vperm.xlane v42, v10;
	v56 =	vmul.f32 v38, v52;
	v38 =	vld [tilespmem:$0x388];
	v21 =	vadd.f32 v63, v21  }
0x48: {  	v52 =	vmul.f32 v45, v61;
	v45 =	vld [tilespmem:$0x3B8];
	v22 =	vadd.f32 v53, v22  }
0x49: {  	v58 =	vperm.xlane v42, v11;
	v57 =	vmul.f32 v39, v55;
	v39 =	vld [tilespmem:$0x318];
	v21 =	vadd.f32 v54, v21  }
0x4a: {  	v59 =	vmul.f32 v40, v55;
	v40 =	vld [tilespmem:$0x368];
	v22 =	vadd.f32 v56, v22  }
0x4b: {  	v60 =	vmul.f32 v41, v58;
	v41 =	vld [tilespmem:$0x338];
	v63 =	vperm.xlane v42, v13;
	v21 =	vadd.f32 v57, v21  }
0x4c: {  	v19 =	vmul.f32 v19, v58;
	v62 =	vmul.f32 v43, v61;
	v43 =	vld [tilespmem:$0x358];
	v22 =	vadd.f32 v59, v22  }
0x4d: {  	v53 =	vmul.f32 v46, v63;
	v54 =	vperm.xlane v42, v14;
	v46 =	vld [tilespmem:$0x378];
	v21 =	vadd.f32 v60, v21  }
0x4e: {  	v55 =	vmul.f32 v48, v63;
	v48 =	vld [tilespmem:$0x398];
	v19 =	vadd.f32 v19, v22  }
0x4f: {  	v56 =	vmul.f32 v44, v54;
	v57 =	vperm.xlane v42, v15;
	v44 =	vld [tilespmem:$0x3C8];
	v21 =	vadd.f32 v62, v21  }
0x50: {  	v58 =	vmul.f32 v50, v54;
	v42 =	vperm.xlane v42, v16;
	v50 =	vld [tilespmem:$0x3D8];
	v19 =	vadd.f32 v52, v19  }
0x51: {  	vm9 =	veq.s32 v20, $0x0;
	v22 =	vld [tilespmem:$0x3A8];
	v21 =	vadd.f32 v53, v21  }
0x52: {  	v61 =	vmul.f32 v26, v42;
	v63 =	vmul.f32 v49, v42;
	v42 =	vld [tilespmem:$0x3E8];
	v19 =	vadd.f32 v55, v19  }
0x53: {  	v59 =	vmul.f32 v47, v57;
	v47 =	vsel vm9, $0x0, v1;
	v49 =	vld [tilespmem:$0x3F8];
	v21 =	vadd.f32 v56, v21  }
0x54: {  	v60 =	vmul.f32 v51, v57;
	v26 =	vld [tilespmem:$0x408];
	v62 =	vperm.xlane v47, v0;
	v19 =	vadd.f32 v58, v19  }
0x55: {  	v51 =	vld [tilespmem:$0x458];
	v21 =	vadd.f32 v59, v21  }
0x56: {  	v53 =	vperm.xlane v47, v2;
	v54 =	vmul.f32 v29, v62;
	v29 =	vld [tilespmem:$0x418];
	v19 =	vadd.f32 v60, v19  }
0x57: {  	v52 =	vmul.f32 v25, v62;
	v25 =	vld [tilespmem:$0x428];
	v21 =	vadd.f32 v61, v21  }
0x58: {  	v57 =	vmul.f32 v31, v53;
	v31 =	vld [tilespmem:$0x438];
	v19 =	vadd.f32 v63, v19  }
0x59: {  	v55 =	vmul.f32 v27, v53;
	v56 =	vperm.xlane v47, v3;
	v27 =	vld [tilespmem:$0x448];
	v21 =	vadd.f32 v52, v21  }
0x5a: {  	v62 =	vperm.xlane v47, v5;
	v53 =	vld [tilespmem:$0x498];
	v19 =	vadd.f32 v54, v19  }
0x5b: {  	v58 =	vmul.f32 v28, v56;
	v59 =	vperm.xlane v47, v4;
	v28 =	vld [tilespmem:$0x468];
	v21 =	vadd.f32 v55, v21  }
0x5c: {  	v60 =	vmul.f32 v33, v56;
	v52 =	vld [tilespmem:$0x478];
	v19 =	vadd.f32 v57, v19  }
0x5d: {  	v56 =	vmul.f32 v32, v62;
	v61 =	vmul.f32 v30, v59;
	v54 =	vld [tilespmem:$0x4D8];
	v21 =	vadd.f32 v58, v21  }
0x5e: {  	v63 =	vmul.f32 v35, v59;
	v57 =	vperm.xlane v47, v6;
	v55 =	vld [tilespmem:$0x538];
	v19 =	vadd.f32 v60, v19  }
0x5f: {  	v58 =	vmul.f32 v37, v62;
	v37 =	vld [tilespmem:$0x488];
	v60 =	vperm.xlane v47, v7;
	v21 =	vadd.f32 v61, v21  }
0x60: {  	v35 =	vperm.xlane v47, v9;
	v19 =	vadd.f32 v63, v19;
	v61 =	vmul.f32 v39, v57;
	v39 =	vld [tilespmem:$0x4A8]  }
0x61: {  	v59 =	vmul.f32 v34, v57;
	v62 =	vmul.f32 v36, v60;
	v36 =	vld [tilespmem:$0x4B8];
	v21 =	vadd.f32 v56, v21  }
0x62: {  	v63 =	vperm.xlane v47, v8;
	v33 =	vmul.f32 v41, v60;
	v41 =	vld [tilespmem:$0x4C8];
	v19 =	vadd.f32 v58, v19  }
0x63: {  	v57 =	vmul.f32 v40, v35;
	v40 =	vld [tilespmem:$0x4F8];
	v21 =	vadd.f32 v59, v21  }
0x64: {  	v56 =	vmul.f32 v43, v63;
	v43 =	vld [tilespmem:$0x4E8];
	v19 =	vadd.f32 v61, v19  }
0x65: {  	v34 =	vmul.f32 v24, v63;
	v58 =	vperm.xlane v47, v10;
	v24 =	vld [tilespmem:$0x648];
	v21 =	vadd.f32 v62, v21  }
0x66: {  	v63 =	vperm.xlane v47, v12;
	v59 =	vmul.f32 v46, v35;
	v46 =	vld [tilespmem:$0x508];
	v19 =	vadd.f32 v33, v19  }
0x67: {  	v60 =	vmul.f32 v38, v58;
	v38 =	vld [tilespmem:$0x518];
	v21 =	vadd.f32 v34, v21  }
0x68: {  	v61 =	vperm.xlane v47, v11;
	v32 =	vmul.f32 v44, v63;
	v44 =	vld [tilespmem:$0x558];
	v19 =	vadd.f32 v56, v19  }
0x69: {  	v62 =	vmul.f32 v48, v58;
	v48 =	vld [tilespmem:$0x528];
	v21 =	vadd.f32 v57, v21  }
0x6a: {  	v30 =	vmul.f32 v45, v61;
	v45 =	vld [tilespmem:$0x548];
	v33 =	vperm.xlane v47, v13;
	v19 =	vadd.f32 v59, v19  }
0x6b: {  	v22 =	vmul.f32 v22, v61;
	v34 =	vmul.f32 v50, v63;
	v50 =	vld [tilespmem:$0x568];
	v21 =	vadd.f32 v60, v21  }
0x6c: {  	v35 =	vmul.f32 v42, v33;
	v42 =	vld [tilespmem:$0x578];
	v19 =	vadd.f32 v62, v19  }
0x6d: {  	v56 =	vperm.xlane v47, v14;
	v57 =	vmul.f32 v49, v33;
	v49 =	vld [tilespmem:$0x588];
	v21 =	vadd.f32 v22, v21  }
0x6e: {  	v59 =	vperm.xlane v47, v15;
	v33 =	vld [tilespmem:$0x5B8];
	v19 =	vadd.f32 v30, v19  }
0x6f: {  	v58 =	vmul.f32 v26, v56;
	v26 =	vld [tilespmem:$0x628];
	v21 =	vadd.f32 v32, v21  }
0x70: {  	v61 =	vmul.f32 v25, v59;
	v62 =	vperm.xlane v47, v16;
	v25 =	vld [tilespmem:$0x638];
	v19 =	vadd.f32 v34, v19  }
0x71: {  	vm10 =	veq.s32 v18, $0x0;
	v30 =	vld [tilespmem:$0x5E8];
	v21 =	vadd.f32 v35, v21  }
0x72: {  	v63 =	vmul.f32 v27, v62;
	v27 =	vld [tilespmem:$0x618];
	v18 =	vadd.f32 v57, v19;
	v19 =	vmul.f32 v29, v56  }
0x73: {  	vm14 =	veq.s32 v17, $0x0;
	v22 =	vsel vm10, $0x0, v1;
	v34 =	vld [tilespmem:$0x5A8];
	v60 =	vadd.f32 v58, v21  }
0x74: {  	v47 =	vperm.xlane v22, v0;
	v32 =	vld [tilespmem:$0x5C8];
	v18 =	vadd.f32 v19, v18;
	v19 =	vmul.f32 v31, v59  }
0x75: {  	v35 =	vld [tilespmem:$0x598];
	v57 =	vperm.xlane v22, v2;
	v59 =	vperm.xlane v22, v3;
	v20 =	vadd.f32 v61, v60  }
0x76: {  	v56 =	vmul.f32 v28, v47;
	v29 =	vld [tilespmem:$0x5F8];
	v18 =	vadd.f32 v19, v18;
	v19 =	vmul.f32 v51, v62  }
0x77: {  	v28 =	vld [tilespmem:$0x608];
	v58 =	vmul.f32 v37, v57;
	v60 =	vmul.f32 v39, v59;
	v20 =	vadd.f32 v63, v20  }
0x78: {  	v31 =	vld [tilespmem:$0x5D8];
	v61 =	vperm.xlane v22, v4;
	v18 =	vadd.f32 v19, v18;
	v19 =	vmul.f32 v52, v47  }
0x79: {  	v51 =	vperm.xlane v22, v6;
	v63 =	vperm.xlane v22, v5;
	v52 =	vld [tilespmem:$0x32];
	v20 =	vadd.f32 v56, v20  }
0x7a: {  	v62 =	vmul.f32 v41, v61;
	v41 =	vld [tilespmem:$0x42];
	v18 =	vadd.f32 v19, v18;
	v19 =	vmul.f32 v53, v57  }
0x7b: {  	v21 =	vld [tilespmem:$0x668];
	v38 =	vmul.f32 v38, v51;
	v47 =	vmul.f32 v43, v63;
	v20 =	vadd.f32 v58, v20  }
0x7c: {  	v53 =	vmul.f32 v46, v51;
	v51 =	vld [tilespmem:$0x6D8];
	v18 =	vadd.f32 v19, v18;
	v19 =	vmul.f32 v36, v59  }
0x7d: {  	v39 =	vmul.f32 v40, v63;
	v57 =	vperm.xlane v22, v8;
	v43 =	vld [tilespmem:$0xB28];
	v20 =	vadd.f32 v60, v20  }
0x7e: {  	v58 =	vld [tilespmem:$0x6A8];
	vm11 =	veq.s32 v52, $0x0;
	v18 =	vadd.f32 v19, v18;
	v19 =	vmul.f32 v54, v61  }
0x7f: {  	v52 =	vperm.xlane v22, v10;
	vm12 =	veq.s32 v41, $0x0;
	v60 =	vld [tilespmem:$0x6B8];
	v36 =	vadd.f32 v62, v20  }
0x80: {  	v54 =	vperm.xlane v22, v7;
	v61 =	vmul.f32 v45, v57;
	v20 =	vld [tilespmem:$0x678];
	v18 =	vadd.f32 v19, v18  }
0x81: {  	v45 =	vperm.xlane v22, v9;
	v49 =	vmul.f32 v49, v52;
	v19 =	vld [tilespmem:$0x688];
	v36 =	vadd.f32 v47, v36  }
0x82: {  	v56 =	vmul.f32 v48, v54;
	v62 =	vld [tilespmem:$0x6C8];
	v39 =	vadd.f32 v39, v18;
	v47 =	vsel vm11, $0x0, v1  }
0x83: {  	v59 =	vmul.f32 v55, v54;
	v54 =	vld [tilespmem:$0x708];
	v63 =	vperm.xlane v47, v0;
	v36 =	vadd.f32 v53, v36  }
0x84: {  	v35 =	vmul.f32 v35, v52;
	v42 =	vmul.f32 v42, v45;
	v48 =	vld [tilespmem:$0x888];
	v38 =	vadd.f32 v38, v39  }
0x85: {  	v39 =	vmul.f32 v44, v57;
	v57 =	vld [tilespmem:$0x6E8];
	v46 =	vmul.f32 v58, v63;
	v36 =	vadd.f32 v56, v36  }
0x86: {  	v58 =	vperm.xlane v47, v2;
	v37 =	vadd.f32 v59, v38;
	v56 =	vmul.f32 v50, v45;
	v59 =	vld [tilespmem:$0x6F8]  }
0x87: {  	v38 =	vmul.f32 v60, v63;
	v63 =	vld [tilespmem:$0x718];
	v60 =	vadd.f32 $0.0e+00, v46;
	v36 =	vadd.f32 v61, v36  }
0x88: {  	v50 =	vld [tilespmem:$0x728];
	v37 =	vadd.f32 v39, v37;
	v61 =	vmul.f32 v62, v58;
	v62 =	vperm.xlane v47, v3  }
0x89: {  	v55 =	vmul.f32 v51, v58;
	v38 =	vadd.f32 $0.0e+00, v38;
	v58 =	vld [tilespmem:$0x738];
	v36 =	vadd.f32 v56, v36  }
0x8a: {  	v40 =	vadd.f32 v61, v60;
	v56 =	vmul.f32 v57, v62;
	v57 =	vperm.xlane v47, v4;
	v60 =	vld [tilespmem:$0x748]  }
0x8b: {  	v46 =	vld [tilespmem:$0x758];
	v38 =	vadd.f32 v55, v38;
	v61 =	vperm.xlane v47, v5;
	v59 =	vmul.f32 v59, v62  }
0x8c: {  	v40 =	vadd.f32 v56, v40;
	v39 =	vmul.f32 v54, v57;
	v62 =	vmul.f32 v63, v57;
	v63 =	vld [tilespmem:$0x768]  }
0x8d: {  	v52 =	vperm.xlane v47, v10;
	v55 =	vperm.xlane v47, v6;
	v56 =	vld [tilespmem:$0x778];
	v38 =	vadd.f32 v59, v38  }
0x8e: {  	v54 =	vmul.f32 v50, v61;
	v57 =	vmul.f32 v58, v61;
	v58 =	vld [tilespmem:$0x788];
	v39 =	vadd.f32 v39, v40  }
0x8f: {  	v37 =	vadd.f32 v42, v37;
	v61 =	vld [tilespmem:$0x798];
	v38 =	vadd.f32 v62, v38;
	v59 =	vmul.f32 v60, v55  }
0x90: {  	v60 =	vperm.xlane v47, v7;
	v62 =	vmul.f32 v46, v55;
	v46 =	vld [tilespmem:$0x7A8];
	v39 =	vadd.f32 v54, v39  }
0x91: {  	v53 =	vperm.xlane v47, v8;
	v36 =	vadd.f32 v49, v36;
	v54 =	vld [tilespmem:$0x7B8];
	v38 =	vadd.f32 v57, v38  }
0x92: {  	v63 =	vmul.f32 v63, v60;
	v55 =	vmul.f32 v56, v60;
	v56 =	vld [tilespmem:$0x7C8];
	v39 =	vadd.f32 v59, v39  }
0x93: {  	v35 =	vadd.f32 v35, v37;
	v50 =	vperm.xlane v22, v11;
	v59 =	vld [tilespmem:$0x7D8];
	v38 =	vadd.f32 v62, v38  }
0x94: {  	v57 =	vmul.f32 v58, v53;
	v58 =	vperm.xlane v47, v9;
	v62 =	vld [tilespmem:$0x7E8];
	v39 =	vadd.f32 v63, v39  }
0x95: {  	v49 =	vperm.xlane v47, v15;
	v61 =	vmul.f32 v61, v53;
	v53 =	vld [tilespmem:$0x7F8];
	v60 =	vadd.f32 v55, v38  }
0x96: {  	v34 =	vmul.f32 v34, v50;
	v63 =	vmul.f32 v46, v58;
	v55 =	vld [tilespmem:$0x808];
	v39 =	vadd.f32 v57, v39  }
0x97: {  	v54 =	vmul.f32 v54, v58;
	v58 =	vld [tilespmem:$0x818];
	v57 =	vperm.xlane v47, v11;
	v37 =	vadd.f32 v61, v60  }
0x98: {  	v56 =	vmul.f32 v56, v52;
	v59 =	vmul.f32 v59, v52;
	v60 =	vld [tilespmem:$0x828];
	v39 =	vadd.f32 v63, v39  }
0x99: {  	v61 =	vmul.f32 v62, v57;
	v62 =	vperm.xlane v47, v12;
	v63 =	vld [tilespmem:$0x838];
	v37 =	vadd.f32 v54, v37  }
0x9a: {  	v33 =	vmul.f32 v33, v50;
	v52 =	vmul.f32 v53, v57;
	v53 =	vld [tilespmem:$0x848];
	v39 =	vadd.f32 v56, v39  }
0x9b: {  	v34 =	vadd.f32 v34, v36;
	v54 =	vmul.f32 v55, v62;
	v56 =	vld [tilespmem:$0x858];
	v51 =	vadd.f32 v59, v37  }
0x9c: {  	v55 =	vperm.xlane v47, v13;
	v57 =	vmul.f32 v58, v62;
	v58 =	vld [tilespmem:$0x868];
	v39 =	vadd.f32 v61, v39  }
0x9d: {  	v18 =	vld [tilespmem:$0x698];
	v35 =	vadd.f32 v33, v35;
	v33 =	vsel vm12, $0x0, v1;
	v36 =	vadd.f32 v52, v51  }
0x9e: {  	v59 =	vmul.f32 v60, v55;
	v60 =	vperm.xlane v47, v14;
	v61 =	vld [tilespmem:$0x878];
	v39 =	vadd.f32 v54, v39  }
0x9f: {  	v50 =	vld [tilespmem:$0x898];
	v45 =	vperm.xlane v33, v12;
	v63 =	vmul.f32 v63, v55;
	v62 =	vadd.f32 v57, v36  }
0xa0: {  	v52 =	vld [tilespmem:$0x8A8];
	v38 =	vmul.f32 v53, v60;
	v54 =	vperm.xlane v47, v16;
	v39 =	vadd.f32 v59, v39  }
0xa1: {  	v55 =	vld [tilespmem:$0x8B8];
	v51 =	vmul.f32 v56, v60;
	v53 =	vmul.f32 v58, v49;
	v36 =	vadd.f32 v63, v62  }
0xa2: {  	v56 =	vld [tilespmem:$0x8C8];
	v57 =	vperm.xlane v33, v0;
	v37 =	vmul.f32 v48, v54;
	v38 =	vadd.f32 v38, v39  }
0xa3: {  	v58 =	vld [tilespmem:$0x8D8];
	v59 =	vperm.xlane v22, v12;
	v40 =	vmul.f32 v61, v49;
	v36 =	vadd.f32 v51, v36  }
0xa4: {  	v60 =	vmul.f32 v50, v54;
	v61 =	vld [tilespmem:$0x8E8];
	v63 =	vperm.xlane v33, v2;
	v38 =	vadd.f32 v53, v38  }
0xa5: {  	v49 =	vld [tilespmem:$0x908];
	v62 =	vmul.f32 v52, v57;
	v32 =	vmul.f32 v32, v59;
	v36 =	vadd.f32 v40, v36  }
0xa6: {  	v48 =	vld [tilespmem:$0x8F8];
	v39 =	vmul.f32 v55, v57;
	v57 =	vperm.xlane v33, v4;
	v37 =	vadd.f32 v37, v38  }
0xa7: {  	v52 =	vld [tilespmem:$0x918];
	v31 =	vmul.f32 v31, v59;
	v51 =	vperm.xlane v33, v3;
	v36 =	vadd.f32 v60, v36  }
0xa8: {  	v55 =	vld [tilespmem:$0x928];
	v50 =	vmul.f32 v56, v63;
	v32 =	vadd.f32 v32, v34;
	v37 =	vadd.f32 v62, v37  }
0xa9: {  	v54 =	vmul.f32 v58, v63;
	v58 =	vld [tilespmem:$0x938];
	v31 =	vadd.f32 v31, v35;
	v53 =	vadd.f32 v39, v36  }
0xaa: {  	v56 =	vmul.f32 v61, v51;
	v61 =	vmul.f32 v49, v57;
	v49 =	vld [tilespmem:$0x968];
	v37 =	vadd.f32 v50, v37  }
0xab: {  	v59 =	vmul.f32 v48, v51;
	v60 =	vld [tilespmem:$0x948];
	v62 =	vperm.xlane v33, v5;
	v34 =	vadd.f32 v54, v53  }
0xac: {  	v63 =	vld [tilespmem:$0x958];
	v51 =	vperm.xlane v33, v6;
	v48 =	vmul.f32 v52, v57;
	v37 =	vadd.f32 v56, v37  }
0xad: {  	v52 =	vld [tilespmem:$0x978];
	v57 =	vperm.xlane v33, v7;
	v50 =	vmul.f32 v55, v62;
	v34 =	vadd.f32 v59, v34  }
0xae: {  	v55 =	vld [tilespmem:$0x988];
	v53 =	vperm.xlane v22, v13;
	v54 =	vmul.f32 v58, v62;
	v37 =	vadd.f32 v61, v37  }
0xaf: {  	v58 =	vld [tilespmem:$0x998];
	v36 =	vmul.f32 v49, v57;
	v49 =	vperm.xlane v33, v9;
	v34 =	vadd.f32 v48, v34  }
0xb0: {  	v62 =	vld [tilespmem:$0x9B8];
	v56 =	vmul.f32 v60, v51;
	v30 =	vmul.f32 v30, v53;
	v37 =	vadd.f32 v50, v37  }
0xb1: {  	v60 =	vld [tilespmem:$0x9A8];
	v59 =	vmul.f32 v63, v51;
	v29 =	vmul.f32 v29, v53;
	v34 =	vadd.f32 v54, v34  }
0xb2: {  	v47 =	vld [tilespmem:$0x9C8];
	v61 =	vperm.xlane v33, v8;
	v30 =	vadd.f32 v30, v32;
	v37 =	vadd.f32 v56, v37  }
0xb3: {  	v46 =	vmul.f32 v52, v57;
	v52 =	vld [tilespmem:$0x9E8];
	v29 =	vadd.f32 v29, v31;
	v63 =	vadd.f32 v59, v34  }
0xb4: {  	v48 =	vmul.f32 v55, v61;
	v50 =	vld [tilespmem:$0x9D8];
	v51 =	vmul.f32 v58, v61;
	v36 =	vadd.f32 v36, v37  }
0xb5: {  	v55 =	vld [tilespmem:$0x9F8];
	v57 =	vmul.f32 v62, v49;
	v61 =	vperm.xlane v22, v14;
	v32 =	vadd.f32 v46, v63  }
0xb6: {  	v58 =	vld [tilespmem:$0xA08];
	v53 =	vmul.f32 v60, v49;
	v54 =	vperm.xlane v33, v10;
	v36 =	vadd.f32 v48, v36  }
0xb7: {  	v60 =	vld [tilespmem:$0xA18];
	v28 =	vmul.f32 v28, v61;
	v27 =	vmul.f32 v27, v61;
	v56 =	vadd.f32 v51, v32  }
0xb8: {  	v49 =	vld [tilespmem:$0xA48];
	v35 =	vmul.f32 v47, v54;
	v59 =	vperm.xlane v33, v11;
	v36 =	vadd.f32 v53, v36  }
0xb9: {  	v61 =	vperm.xlane v33, v15;
	v62 =	vmul.f32 v50, v54;
	v63 =	vld [tilespmem:$0xA28];
	v31 =	vadd.f32 v57, v56  }
0xba: {  	v28 =	vadd.f32 v28, v30;
	v44 =	vmul.f32 v52, v59;
	v46 =	vld [tilespmem:$0xA38];
	v35 =	vadd.f32 v35, v36  }
0xbb: {  	v47 =	vld [tilespmem:$0x52];
	v27 =	vadd.f32 v27, v29;
	v37 =	vmul.f32 v55, v59;
	v31 =	vadd.f32 v62, v31  }
0xbc: {  	v34 =	vmul.f32 v58, v45;
	v52 =	vld [tilespmem:$0xA58];
	v48 =	vperm.xlane v33, v13;
	v35 =	vadd.f32 v44, v35  }
0xbd: {  	v54 =	vld [tilespmem:$0xA68];
	v58 =	vperm.xlane v22, v15;
	v51 =	vmul.f32 v60, v45;
	v50 =	vadd.f32 v37, v31  }
0xbe: {  	v56 =	vperm.xlane v33, v14;
	v57 =	vld [tilespmem:$0xA78];
	v53 =	vmul.f32 v63, v48;
	v34 =	vadd.f32 v34, v35  }
0xbf: {  	v59 =	vld [tilespmem:$0xA88];
	v22 =	vperm.xlane v22, v16;
	v55 =	vmul.f32 v46, v48;
	v30 =	vadd.f32 v51, v50  }
0xc0: {  	vm13 =	veq.s32 v47, $0x0;
	v60 =	vmul.f32 v49, v56;
	v62 =	vld [tilespmem:$0xA98];
	v34 =	vadd.f32 v53, v34  }
0xc1: {  	v45 =	vld [tilespmem:$0xAA8];
	v33 =	vperm.xlane v33, v16;
	v44 =	vmul.f32 v52, v56;
	v30 =	vadd.f32 v55, v30  }
0xc2: {  	v47 =	vld [tilespmem:$0xAB8];
	v63 =	vmul.f32 v26, v58;
	v46 =	vmul.f32 v54, v61;
	v31 =	vadd.f32 v60, v34  }
0xc3: {  	v26 =	vsel vm13, $0x0, v1;
	v49 =	vld [tilespmem:$0xAC8];
	v48 =	vmul.f32 v57, v61;
	v30 =	vadd.f32 v44, v30  }
0xc4: {  	v52 =	vld [tilespmem:$0xAD8];
	v50 =	vmul.f32 v59, v33;
	v51 =	vperm.xlane v26, v0;
	v31 =	vadd.f32 v46, v31  }
0xc5: {  	v25 =	vmul.f32 v25, v58;
	v54 =	vld [tilespmem:$0xAE8];
	v53 =	vmul.f32 v62, v33;
	v30 =	vadd.f32 v48, v30  }
0xc6: {  	v56 =	vperm.xlane v26, v2;
	v57 =	vld [tilespmem:$0xAF8];
	v55 =	vmul.f32 v45, v51;
	v31 =	vadd.f32 v50, v31  }
0xc7: {  	v28 =	vadd.f32 v63, v28;
	v59 =	vmul.f32 v47, v51;
	v60 =	vld [tilespmem:$0xB08];
	v58 =	vadd.f32 v53, v30  }
0xc8: {  	v63 =	vld [tilespmem:$0xB18];
	v61 =	vmul.f32 v49, v56;
	v62 =	vperm.xlane v26, v3;
	v31 =	vadd.f32 v55, v31  }
0xc9: {  	v40 =	vld [tilespmem:$0xBB8];
	v24 =	vmul.f32 v24, v22;
	v42 =	vmul.f32 v52, v56;
	v41 =	vadd.f32 v59, v58  }
0xca: {  	v45 =	vld [tilespmem:$0xB38];
	v33 =	vmul.f32 v54, v62;
	v44 =	vperm.xlane v26, v4;
	v31 =	vadd.f32 v61, v31  }
0xcb: {  	v25 =	vadd.f32 v25, v27;
	v47 =	vld [tilespmem:$0xB48];
	v46 =	vmul.f32 v57, v62;
	v27 =	vadd.f32 v42, v41  }
0xcc: {  	v49 =	vld [tilespmem:$0xB58];
	v48 =	vperm.xlane v26, v5;
	v32 =	vmul.f32 v60, v44;
	v31 =	vadd.f32 v33, v31  }
0xcd: {  	v22 =	vmul.f32 v23, v22;
	v51 =	vld [tilespmem:$0xB68];
	v50 =	vmul.f32 v63, v44;
	v27 =	vadd.f32 v46, v27  }
0xce: {  	v52 =	vperm.xlane v26, v6;
	v30 =	vmul.f32 v43, v48;
	v53 =	vld [tilespmem:$0xB78];
	v31 =	vadd.f32 v32, v31  }
0xcf: {  	v36 =	vsel vm14, $0x0, v1;
	v54 =	vmul.f32 v45, v48;
	v55 =	vld [tilespmem:$0xB88];
	v27 =	vadd.f32 v50, v27  }
0xd0: {  	v57 =	vperm.xlane v26, v7;
	v56 =	vmul.f32 v47, v52;
	v58 =	vld [tilespmem:$0xB98];
	v30 =	vadd.f32 v30, v31  }
0xd1: {  	v22 =	vadd.f32 v22, v25;
	v60 =	vmul.f32 v49, v52;
	v61 =	vld [tilespmem:$0xBA8];
	v59 =	vadd.f32 v54, v27  }
0xd2: {  	v37 =	vld [tilespmem:$0xC68];
	v62 =	vmul.f32 v51, v57;
	v63 =	vperm.xlane v26, v8;
	v30 =	vadd.f32 v56, v30  }
0xd3: {  	v39 =	vperm.xlane v26, v14;
	v42 =	vld [tilespmem:$0xBC8];
	v41 =	vmul.f32 v53, v57;
	v17 =	vadd.f32 v60, v59  }
0xd4: {  	v43 =	vperm.xlane v26, v9;
	v44 =	vld [tilespmem:$0xBD8];
	v29 =	vmul.f32 v55, v63;
	v30 =	vadd.f32 v62, v30  }
0xd5: {  	v24 =	vadd.f32 v24, v28;
	v46 =	vld [tilespmem:$0xBE8];
	v45 =	vmul.f32 v58, v63;
	v17 =	vadd.f32 v41, v17  }
0xd6: {  	v47 =	vperm.xlane v26, v10;
	v48 =	vld [tilespmem:$0xBF8];
	v28 =	vmul.f32 v61, v43;
	v29 =	vadd.f32 v29, v30  }
0xd7: {  	v51 =	vperm.xlane v26, v11;
	v49 =	vmul.f32 v40, v43;
	v50 =	vld [tilespmem:$0xC08];
	v17 =	vadd.f32 v45, v17  }
0xd8: {  	v52 =	vld [tilespmem:$0xC18];
	v53 =	vperm.xlane v36, v15;
	v27 =	vmul.f32 v42, v47;
	v28 =	vadd.f32 v28, v29  }
0xd9: {  	v57 =	vperm.xlane v26, v12;
	v55 =	vld [tilespmem:$0xC28];
	v54 =	vmul.f32 v44, v47;
	v17 =	vadd.f32 v49, v17  }
0xda: {  	v58 =	vld [tilespmem:$0xC38];
	v21 =	vmul.f32 v21, v53;
	v56 =	vmul.f32 v46, v51;
	v27 =	vadd.f32 v27, v28  }
0xdb: {  	v20 =	vmul.f32 v20, v53;
	v61 =	vld [tilespmem:$0xC48];
	v29 =	vmul.f32 v48, v51;
	v17 =	vadd.f32 v54, v17  }
0xdc: {  	v63 =	vld [tilespmem:$0xC58];
	v60 =	vperm.xlane v26, v13;
	v25 =	vmul.f32 v50, v57;
	v27 =	vadd.f32 v56, v27  }
0xdd: {  	v21 =	vadd.f32 v21, v24;
	v59 =	vld [tilespmem:$0x54];
	v62 =	vmul.f32 v52, v57;
	v17 =	vadd.f32 v29, v17  }
0xde: {  	v40 =	vld [tilespmem:$0xC78];
	v20 =	vadd.f32 v20, v22;
	v34 =	vmul.f32 v55, v60;
	v25 =	vadd.f32 v25, v27  }
0xdf: {  	v42 =	vld [tilespmem:$0xC88];
	v44 =	vperm.xlane v26, v15;
	v38 =	vmul.f32 v58, v60;
	v17 =	vadd.f32 v62, v17  }
0xe0: {  	v46 =	vperm.xlane v36, v16;
	v43 =	vmul.f32 v61, v39;
	v45 =	vld [tilespmem:$0xC98];
	v41 =	vadd.f32 v34, v25  }
0xe1: {  	v47 =	vmul.f32 v63, v39;
	v26 =	vperm.xlane v26, v16;
	v48 =	vld [tilespmem:$0xCA8];
	v17 =	vadd.f32 v38, v17  }
0xe2: {  	v50 =	vld [tilespmem:$0xCB8];
	vm15 =	veq.s32 v59, $0x0;
	v49 =	vmul.f32 v37, v44;
	v22 =	vadd.f32 v43, v41  }
0xe3: {  	v53 =	vld [tilespmem:$0xCC8];
	v52 =	vmul.f32 v40, v44;
	v51 =	vsel vm15, $0x0, v1;
	v17 =	vadd.f32 v47, v17  }
0xe4: {  	v55 =	vperm.xlane v51, v15;
	v54 =	vmul.f32 v42, v26;
	v56 =	vld [tilespmem:$0xCD8];
	v22 =	vadd.f32 v49, v22  }
0xe5: {  	v19 =	vmul.f32 v19, v46;
	v57 =	vmul.f32 v45, v26;
	v17 =	vadd.f32 v52, v17  }
0xe6: {  	v59 =	vperm.xlane v51, v16;
	v58 =	vmul.f32 v48, v55;
	v22 =	vadd.f32 v54, v22  }
0xe7: {  	v18 =	vmul.f32 v18, v46;
	v60 =	vmul.f32 v50, v55;
	v17 =	vadd.f32 v57, v17  }
0xe8: {  	v19 =	vadd.f32 v19, v21;
	v62 =	vmul.f32 v53, v59;
	v61 =	vadd.f32 v58, v22  }
0xe9: {  	v18 =	vadd.f32 v18, v20;
	v63 =	vmul.f32 v56, v59;
	v17 =	vadd.f32 v60, v17  }
0xea: {  	[tilespmem:$0xCE8] =	vst v19;
	v19 =	vadd.f32 v62, v61  }
0xeb: {  	[tilespmem:$0xCF8] =	vst v18;
	v17 =	vadd.f32 v63, v17  }
0xec: {  	p0 =	sne.s32 s14, $0x33F8;
	[tilespmem:$0xD08] =	vst v19  }
.Ltmp0:
0xed: {  	s15 =	sadd.s32 s14, s5;
	[tilespmem:$0xD18] =	vst v17;
	(pc) =	sbr.rel @p0 .LBB2_2-.Ltmp0, $4  }
0xee: {  	[hbm4b:s15+s2] =	stream.linear.scatter [tilespmem:s11], [sflag:$0x2], $0x40, $0x38;
	[tilespmem:$0xD28] =	vst v63  }
0xef: {  	_ =	swait.ge [sflag:s7], $0x40  }
0xf0: {  	[sflag:s7] =	ssyncset.done $0x0  }
0xf1: {  	s13 =	sadd.s32 $0xD, s13;
	s14 =	sadd.s32 $0x8, s14;
	[sflag:s7] =	ssyncadd.s32 $0xFFFFFFC0  }
0xf2: {  	s12 =	sadd.s32 $0x1, s12  }
0xf3: {  	p0 =	sne.s32 s12, s4  }
.Ltmp1:
0xf4: {  	_ = 	snop;
	(pc) =	sbr.rel @p0 .LBB2_1-.Ltmp1, $1  }
0xf5: {  	_ =	sdelay $0x3  }
0xf6: {  	_ =	sfence.sel $0x180000  }
0xf7: {  	[bflag:$0x0] =	sbarrier.arrive $0xFFFF  }
0xf8: {  	p0 =	sne.s32 s0, $0x0;
	_ =	strace $0x90000047  }
0xf9: {  	s0 =	sadd.s32 @!p0 $0x100000, s1;
	[bflag:$0x2] =	sbarrier.arrive $0xFFFF  }
0xfa: {  	[sflag:s0] =	ssyncadd.tile.s32 @!p0 $0x1;
	_ =	shalt  }
.Lfunc_end2:
_tile_overlayer_lowered:
.L_overlay_start_2:
0xfb: {  	(tag) =	ssettag $0x2  }
0xfc: {  	s0 =	rddreg [dreg:$0x0];
	s2 =	stileid.u32  }
0xfd: {  	s1 =	rddreg [dreg:$0x1];
	p0 =	sne.s32 s2, $0x0  }
0xfe: {  	s3 =	rddreg [dreg:$0x2];
	[bflag:$0x3] =	sbarrier.arrive $0xFFFF;
	s2 =	simm.s32 @!p0 $0x1C02  }
0xff: {  	[timem:s3], [sflag:s2] =	dma.local @!p0 [hbm:s0], s1  }
0x100: {  	s0 =	simm.s32 @!p0 $0x2  }
0x101: {  	_ =	swait.ge @!p0 [sflag:s0], s1  }
0x102: {  	s1 =	ssub.s32 @!p0 $0x0, s1;
	[sflag:s0] =	ssyncset.done @!p0 $0x0  }
0x103: {  	[sflag:s0] =	ssyncadd.s32 @!p0 s1  }
0x104: {  	[bflag:$0x3] =	sbarrier.arrive $0xFFFF  }
0x105: {  	_ =	shalt  }

</sc_bundles>
